<compile_context>
chip_gen: v7x
topology: tpu7x:2x2x1
jax: 0.10.2.dev20260603
libtpu: 0.0.44.dev20260713+nightly
codegen_flags: <defaults>
</compile_context>

<pallas_src>
import functools

import jax
import jax.numpy as jnp
from jax import lax
from jax.experimental import pallas as pl
from jax.experimental.pallas import tpu as pltpu
from jax.experimental.pallas import tpu_sc as plsc

NC = 2
NS = 16
NW = NC * NS

DP = 128


_ROW_BLK = 8192


def _transform_body(pcat_ref, wt_ref, b_ref, out_ref):
    out_ref[...] = (
        lax.dot_general(pcat_ref[...], wt_ref[...],
                        dimension_numbers=(((0,), (0,)), ((), ())),
                        preferred_element_type=jnp.float32,
                        precision=lax.Precision.HIGHEST)
        + b_ref[...]
    )


def _transform_table(pcat, wt, b2d):
    d, v = pcat.shape
    grid = (v + _ROW_BLK - 1) // _ROW_BLK
    return pl.pallas_call(
        _transform_body,
        grid=(grid,),
        in_specs=[
            pl.BlockSpec((d, _ROW_BLK), lambda i: (0, i)),
            pl.BlockSpec((d, DP), lambda i: (0, 0)),
            pl.BlockSpec((1, DP), lambda i: (0, 0)),
        ],
        out_specs=pl.BlockSpec((_ROW_BLK, DP), lambda i: (i, 0)),
        out_shape=jax.ShapeDtypeStruct((v, DP), jnp.float32),
    )(pcat, wt, b2d)



_CHUNK = 128
_K = 2


def _make_gather(n_flat):
    per_w = n_flat // NW
    n_chunks = per_w // _CHUNK
    n_groups = n_chunks // _K
    grp = _K * _CHUNK
    mesh = plsc.VectorSubcoreMesh(
        core_axis_name="c", subcore_axis_name="s",
        num_cores=NC, num_subcores=NS)

    @functools.partial(
        pl.kernel,
        out_type=jax.ShapeDtypeStruct((n_flat, DP), jnp.float32),
        mesh=mesh,
        scratch_types=[
            pltpu.VMEM((n_chunks, _CHUNK), jnp.int32),
            pltpu.VMEM((3, grp, DP), jnp.float32),
            pltpu.SemaphoreType.DMA,
            pltpu.SemaphoreType.DMA,
            pltpu.SemaphoreType.DMA,
        ],
        compiler_params=pltpu.CompilerParams(use_tc_tiling_on_sc=True),
    )
    def gather(table_hbm, idx_hbm, out_hbm, idx_v, rows_v, *sems):
        wid = lax.axis_index("s") * NC + lax.axis_index("c")
        pltpu.sync_copy(idx_hbm.at[wid], idx_v)
        base = wid * per_w

        def fire(g, b):
            for k in range(_K):
                pltpu.async_copy(
                    table_hbm.at[idx_v.at[g * _K + k]],
                    rows_v.at[b, pl.ds(k * _CHUNK, _CHUNK)],
                    sems[b])

        def drain(b):
            for k in range(_K):
                pltpu.make_async_copy(
                    table_hbm.at[idx_v.at[0]],
                    rows_v.at[b, pl.ds(k * _CHUNK, _CHUNK)],
                    sems[b]).wait()

        def write(g, b):
            pltpu.sync_copy(rows_v.at[b],
                            out_hbm.at[pl.ds(base + g * grp, grp)])

        fire(0, 0)
        fire(1, 1)

        def body(i2, carry):
            for r in range(3):
                g = i2 * 3 + r
                fire(g + 2, (r + 2) % 3)
                drain(r)
                write(g, r)
            return carry

        n_full = (n_groups - 4) // 3
        lax.fori_loop(0, n_full, body, 0)
        for g in range(n_full * 3, n_groups):
            if g + 2 < n_groups:
                fire(g + 2, (g + 2) % 3)
            drain(g % 3)
            write(g, g % 3)

    return gather




def kernel(nodes, pca_matrix, W, b):
    bsz, seq = nodes.shape
    d = pca_matrix.shape[1]
    n_flat = bsz * seq

    wt = jnp.zeros((d, DP), jnp.float32).at[:, :d].set(W.T)
    b2d = jnp.zeros((1, DP), jnp.float32).at[:, :d].set(b)
    table = _transform_table(pca_matrix.T, wt, b2d)

    per_w = n_flat // NW
    idx = nodes.reshape(-1).astype(jnp.int32).reshape(NW, per_w // _CHUNK, _CHUNK)
    out = _make_gather(n_flat)(table, idx)
    return out[:, :d].reshape(bsz, seq, d)

# --- scband reference (transcript-rebuilt; emitter-appended) ---
"""Pipeline reference for scband-position-encoding-56873956934243 (READ-ONLY COPY).

The authoritative reference and input builder live on the scoring server;
editing this copy changes nothing except your own understanding.
"""

import jax, jax.numpy as jnp
import numpy as np

NODE_CNT = 100000
PCA_DIM = 64
POS_DIM = 64
B = 4096
L = 200

def setup_inputs(seed: int = 0) -> dict:
    key = jax.random.key(seed)
    k1, k2, k3, k4 = jax.random.split(key, 4)
    nodes = jax.random.randint(k1, (B, L), 0, NODE_CNT + 1, dtype=jnp.int64)
    # pca_matrix: precomputed PCA of cosine distance matrix, row 0 is padding,
    # normalized by its std in the original module
    pca_matrix = jax.random.normal(k2, (NODE_CNT + 1, PCA_DIM), dtype=jnp.float32)
    pca_matrix = pca_matrix.at[0].set(0.0)
    pca_matrix = pca_matrix / jnp.std(pca_matrix)
    # nn.Linear(pca_dim, position_dim) parameters
    bound = 1.0 / np.sqrt(PCA_DIM)
    W = jax.random.uniform(k3, (POS_DIM, PCA_DIM), dtype=jnp.float32, minval=-bound, maxval=bound)
    b = jax.random.uniform(k4, (POS_DIM,), dtype=jnp.float32, minval=-bound, maxval=bound)
    return {"nodes": nodes, "pca_matrix": pca_matrix, "W": W, "b": b}

def reference(nodes, pca_matrix, W, b):
    # pe = self.pca_matrix[nodes_flat].reshape(B, L, -1)
    nodes_flat = nodes.reshape(-1)
    pe = jnp.take(pca_matrix, nodes_flat, axis=0).reshape(nodes.shape[0], nodes.shape[1], -1)
    # out = self.dropout(self.embedding(pe)); dropout is identity in eval mode
    out = pe @ W.T + b
    return out

if __name__ == "__main__":
    import jax
    _d = setup_inputs()
    print(jax.jit(kernel)(*tuple(_d.values())))

</pallas_src>

<mosaic_0001>
#map = affine_map<(d0, d1) -> (0, 0)>
#map1 = affine_map<(d0, d1) -> (0, 0, 0)>
module attributes {stable_mosaic.version = 14 : i64} {
  func.func @gather(%arg0: i32, %arg1: i32, %arg2: memref<100001x128xf32, #tpu.memory_space<hbm>>, %arg3: memref<32x200x128xi32, #tpu.memory_space<hbm>>, %arg4: memref<819200x128xf32, #tpu.memory_space<hbm>>, %arg5: memref<200x128xi32, #tpu.memory_space<vmem>>, %arg6: memref<3x256x128xf32, #tpu.memory_space<vmem>>, %arg7: memref<!tpu.dma_semaphore, #tpu.memory_space<semaphore_mem>>, %arg8: memref<!tpu.dma_semaphore, #tpu.memory_space<semaphore_mem>>, %arg9: memref<!tpu.dma_semaphore, #tpu.memory_space<semaphore_mem>>) attributes {dimension_semantics = [#tpu.dimension_semantics<core_parallel>, #tpu.dimension_semantics<subcore_parallel>], iteration_bounds = array<i64: 2, 16>, scalar_prefetch = 0 : i64, scratch_operands = 5 : i64, tpu.core_type = #tpu.core_type<sc_vector_subcore>, window_params = [{transform_indices = #map}, {transform_indices = #map1}, {transform_indices = #map}]} {
    %mul3A = arith.constant 2 : i32
    %mul3A_0 = arith.muli %arg1, %mul3A : i32
    %add3A = arith.addi %mul3A_0, %arg0 : i32
    "tpu.region"() ({
      %run_scoped3A_209 = tpu.sem_alloc : memref<!tpu.dma_semaphore, #tpu.memory_space<semaphore_mem>>
      %dma_start3A_210 = arith.constant 0 : i32
      %dma_start3A_211 = arith.constant 0 : i32
      %dma_start3A_212 = tpu.memref_slice %arg3[%add3A, %dma_start3A_210, %dma_start3A_211] : memref<32x200x128xi32, #tpu.memory_space<hbm>> -> memref<1x200x128xi32, #tpu.memory_space<hbm>>
      %dma_start3A_213 = tpu.memref_squeeze %dma_start3A_212 : memref<1x200x128xi32, #tpu.memory_space<hbm>> -> memref<200x128xi32, #tpu.memory_space<hbm>>
      %dma_start3A_214 = arith.constant 0 : i32
      %dma_start3A_215 = arith.constant 0 : i32
      %dma_start3A_216 = tpu.memref_slice %arg3[%add3A, %dma_start3A_214, %dma_start3A_215] : memref<32x200x128xi32, #tpu.memory_space<hbm>> -> memref<1x200x128xi32, #tpu.memory_space<hbm>>
      %dma_start3A_217 = tpu.memref_squeeze %dma_start3A_216 : memref<1x200x128xi32, #tpu.memory_space<hbm>> -> memref<200x128xi32, #tpu.memory_space<hbm>>
      tpu.enqueue_dma source(%dma_start3A_217 : memref<200x128xi32, #tpu.memory_space<hbm>>) target(%arg5 : memref<200x128xi32, #tpu.memory_space<vmem>>) target_semaphore(%run_scoped3A_209 : memref<!tpu.dma_semaphore, #tpu.memory_space<semaphore_mem>>)
      %dma_wait3A_218 = arith.constant 0 : i32
      %dma_wait3A_219 = arith.constant 0 : i32
      %dma_wait3A_220 = tpu.memref_slice %arg3[%add3A, %dma_wait3A_218, %dma_wait3A_219] : memref<32x200x128xi32, #tpu.memory_space<hbm>> -> memref<1x200x128xi32, #tpu.memory_space<hbm>>
      %dma_wait3A_221 = tpu.memref_squeeze %dma_wait3A_220 : memref<1x200x128xi32, #tpu.memory_space<hbm>> -> memref<200x128xi32, #tpu.memory_space<hbm>>
      %dma_wait3A_222 = arith.constant 0 : i32
      %dma_wait3A_223 = arith.constant 0 : i32
      %dma_wait3A_224 = tpu.memref_slice %arg3[%add3A, %dma_wait3A_222, %dma_wait3A_223] : memref<32x200x128xi32, #tpu.memory_space<hbm>> -> memref<1x200x128xi32, #tpu.memory_space<hbm>>
      %dma_wait3A_225 = tpu.memref_squeeze %dma_wait3A_224 : memref<1x200x128xi32, #tpu.memory_space<hbm>> -> memref<200x128xi32, #tpu.memory_space<hbm>>
      tpu.wait_dma2 semaphore(%run_scoped3A_209 : memref<!tpu.dma_semaphore, #tpu.memory_space<semaphore_mem>>) src(%dma_wait3A_225 : memref<200x128xi32, #tpu.memory_space<hbm>>) dst(%arg5 : memref<200x128xi32, #tpu.memory_space<vmem>>)
      tpu.yield
    }) : () -> ()
    %mul3A_1 = arith.constant 25600 : i32
    %mul3A_2 = arith.muli %add3A, %mul3A_1 : i32
    %dma_start3A = arith.constant 0 : i32
    %dma_start3A_3 = arith.constant 0 : i32
    %dma_start3A_4 = arith.constant 0 : i32
    %dma_start3A_5 = arith.constant 0 : i32
    %dma_start3A_6 = tpu.memref_slice %arg6[%dma_start3A_3, %dma_start3A_4, %dma_start3A_5] : memref<3x256x128xf32, #tpu.memory_space<vmem>> -> memref<1x128x128xf32, #tpu.memory_space<vmem>>
    %dma_start3A_7 = tpu.memref_squeeze %dma_start3A_6 : memref<1x128x128xf32, #tpu.memory_space<vmem>> -> memref<128x128xf32, #tpu.memory_space<vmem>>
    %dma_start3A_8 = arith.constant 0 : i32
    %dma_start3A_9 = tpu.memref_slice %arg5[%dma_start3A, %dma_start3A_8] : memref<200x128xi32, #tpu.memory_space<vmem>> -> memref<1x128xi32, #tpu.memory_space<vmem>>
    %dma_start3A_10 = tpu.memref_squeeze %dma_start3A_9 : memref<1x128xi32, #tpu.memory_space<vmem>> -> memref<128xi32, #tpu.memory_space<vmem>>
    %dma_start3A_11 = arith.constant 0 : i32
    %dma_start3A_12 = arith.constant 0 : i32
    %dma_start3A_13 = tpu.memref_slice %arg2[%dma_start3A_11, %dma_start3A_12] : memref<100001x128xf32, #tpu.memory_space<hbm>> -> memref<100001x128xf32, #tpu.memory_space<hbm>>
    tpu.enqueue_indirect_dma source(%dma_start3A_13 : memref<100001x128xf32, #tpu.memory_space<hbm>>) target(%dma_start3A_7 : memref<128x128xf32, #tpu.memory_space<vmem>>) offsets(%dma_start3A_10 : memref<128xi32, #tpu.memory_space<vmem>>) semaphore(%arg7 : memref<!tpu.dma_semaphore, #tpu.memory_space<semaphore_mem>>)
    %dma_start3A_14 = arith.constant 1 : i32
    %dma_start3A_15 = arith.constant 0 : i32
    %dma_start3A_16 = arith.constant 128 : i32
    %dma_start3A_17 = arith.constant 0 : i32
    %dma_start3A_18 = tpu.memref_slice %arg6[%dma_start3A_15, %dma_start3A_16, %dma_start3A_17] : memref<3x256x128xf32, #tpu.memory_space<vmem>> -> memref<1x128x128xf32, #tpu.memory_space<vmem>>
    %dma_start3A_19 = tpu.memref_squeeze %dma_start3A_18 : memref<1x128x128xf32, #tpu.memory_space<vmem>> -> memref<128x128xf32, #tpu.memory_space<vmem>>
    %dma_start3A_20 = arith.constant 0 : i32
    %dma_start3A_21 = tpu.memref_slice %arg5[%dma_start3A_14, %dma_start3A_20] : memref<200x128xi32, #tpu.memory_space<vmem>> -> memref<1x128xi32, #tpu.memory_space<vmem>>
    %dma_start3A_22 = tpu.memref_squeeze %dma_start3A_21 : memref<1x128xi32, #tpu.memory_space<vmem>> -> memref<128xi32, #tpu.memory_space<vmem>>
    %dma_start3A_23 = arith.constant 0 : i32
    %dma_start3A_24 = arith.constant 0 : i32
    %dma_start3A_25 = tpu.memref_slice %arg2[%dma_start3A_23, %dma_start3A_24] : memref<100001x128xf32, #tpu.memory_space<hbm>> -> memref<100001x128xf32, #tpu.memory_space<hbm>>
    tpu.enqueue_indirect_dma source(%dma_start3A_25 : memref<100001x128xf32, #tpu.memory_space<hbm>>) target(%dma_start3A_19 : memref<128x128xf32, #tpu.memory_space<vmem>>) offsets(%dma_start3A_22 : memref<128xi32, #tpu.memory_space<vmem>>) semaphore(%arg7 : memref<!tpu.dma_semaphore, #tpu.memory_space<semaphore_mem>>)
    %dma_start3A_26 = arith.constant 2 : i32
    %dma_start3A_27 = arith.constant 1 : i32
    %dma_start3A_28 = arith.constant 0 : i32
    %dma_start3A_29 = arith.constant 0 : i32
    %dma_start3A_30 = tpu.memref_slice %arg6[%dma_start3A_27, %dma_start3A_28, %dma_start3A_29] : memref<3x256x128xf32, #tpu.memory_space<vmem>> -> memref<1x128x128xf32, #tpu.memory_space<vmem>>
    %dma_start3A_31 = tpu.memref_squeeze %dma_start3A_30 : memref<1x128x128xf32, #tpu.memory_space<vmem>> -> memref<128x128xf32, #tpu.memory_space<vmem>>
    %dma_start3A_32 = arith.constant 0 : i32
    %dma_start3A_33 = tpu.memref_slice %arg5[%dma_start3A_26, %dma_start3A_32] : memref<200x128xi32, #tpu.memory_space<vmem>> -> memref<1x128xi32, #tpu.memory_space<vmem>>
    %dma_start3A_34 = tpu.memref_squeeze %dma_start3A_33 : memref<1x128xi32, #tpu.memory_space<vmem>> -> memref<128xi32, #tpu.memory_space<vmem>>
    %dma_start3A_35 = arith.constant 0 : i32
    %dma_start3A_36 = arith.constant 0 : i32
    %dma_start3A_37 = tpu.memref_slice %arg2[%dma_start3A_35, %dma_start3A_36] : memref<100001x128xf32, #tpu.memory_space<hbm>> -> memref<100001x128xf32, #tpu.memory_space<hbm>>
    tpu.enqueue_indirect_dma source(%dma_start3A_37 : memref<100001x128xf32, #tpu.memory_space<hbm>>) target(%dma_start3A_31 : memref<128x128xf32, #tpu.memory_space<vmem>>) offsets(%dma_start3A_34 : memref<128xi32, #tpu.memory_space<vmem>>) semaphore(%arg8 : memref<!tpu.dma_semaphore, #tpu.memory_space<semaphore_mem>>)
    %dma_start3A_38 = arith.constant 3 : i32
    %dma_start3A_39 = arith.constant 1 : i32
    %dma_start3A_40 = arith.constant 128 : i32
    %dma_start3A_41 = arith.constant 0 : i32
    %dma_start3A_42 = tpu.memref_slice %arg6[%dma_start3A_39, %dma_start3A_40, %dma_start3A_41] : memref<3x256x128xf32, #tpu.memory_space<vmem>> -> memref<1x128x128xf32, #tpu.memory_space<vmem>>
    %dma_start3A_43 = tpu.memref_squeeze %dma_start3A_42 : memref<1x128x128xf32, #tpu.memory_space<vmem>> -> memref<128x128xf32, #tpu.memory_space<vmem>>
    %dma_start3A_44 = arith.constant 0 : i32
    %dma_start3A_45 = tpu.memref_slice %arg5[%dma_start3A_38, %dma_start3A_44] : memref<200x128xi32, #tpu.memory_space<vmem>> -> memref<1x128xi32, #tpu.memory_space<vmem>>
    %dma_start3A_46 = tpu.memref_squeeze %dma_start3A_45 : memref<1x128xi32, #tpu.memory_space<vmem>> -> memref<128xi32, #tpu.memory_space<vmem>>
    %dma_start3A_47 = arith.constant 0 : i32
    %dma_start3A_48 = arith.constant 0 : i32
    %dma_start3A_49 = tpu.memref_slice %arg2[%dma_start3A_47, %dma_start3A_48] : memref<100001x128xf32, #tpu.memory_space<hbm>> -> memref<100001x128xf32, #tpu.memory_space<hbm>>
    tpu.enqueue_indirect_dma source(%dma_start3A_49 : memref<100001x128xf32, #tpu.memory_space<hbm>>) target(%dma_start3A_43 : memref<128x128xf32, #tpu.memory_space<vmem>>) offsets(%dma_start3A_46 : memref<128xi32, #tpu.memory_space<vmem>>) semaphore(%arg8 : memref<!tpu.dma_semaphore, #tpu.memory_space<semaphore_mem>>)
    %scan3A = arith.constant 0 : i32
    %scan3A_50 = arith.constant 0 : i32
    %scan3A_51 = arith.constant 32 : i32
    %scan3A_52 = arith.addi %scan3A_50, %scan3A_51 : i32
    %scan3A_53 = arith.constant 1 : i32
    scf.for %scan3A_209 = %scan3A_50 to %scan3A_52 step %scan3A_53  : i32 {
      %mul3A_210 = arith.constant 3 : i32
      %mul3A_211 = arith.muli %scan3A_209, %mul3A_210 : i32
      %add3A_212 = arith.constant 0 : i32
      %add3A_213 = arith.addi %mul3A_211, %add3A_212 : i32
      %add3A_214 = arith.constant 2 : i32
      %add3A_215 = arith.addi %add3A_213, %add3A_214 : i32
      %mul3A_216 = arith.constant 2 : i32
      %mul3A_217 = arith.muli %add3A_215, %mul3A_216 : i32
      %add3A_218 = arith.constant 0 : i32
      %add3A_219 = arith.addi %mul3A_217, %add3A_218 : i32
      %dma_start3A_220 = arith.constant 2 : i32
      %dma_start3A_221 = arith.constant 0 : i32
      %dma_start3A_222 = arith.constant 0 : i32
      %dma_start3A_223 = tpu.memref_slice %arg6[%dma_start3A_220, %dma_start3A_221, %dma_start3A_222] : memref<3x256x128xf32, #tpu.memory_space<vmem>> -> memref<1x128x128xf32, #tpu.memory_space<vmem>>
      %dma_start3A_224 = tpu.memref_squeeze %dma_start3A_223 : memref<1x128x128xf32, #tpu.memory_space<vmem>> -> memref<128x128xf32, #tpu.memory_space<vmem>>
      %dma_start3A_225 = arith.constant 0 : i32
      %dma_start3A_226 = tpu.memref_slice %arg5[%add3A_219, %dma_start3A_225] : memref<200x128xi32, #tpu.memory_space<vmem>> -> memref<1x128xi32, #tpu.memory_space<vmem>>
      %dma_start3A_227 = tpu.memref_squeeze %dma_start3A_226 : memref<1x128xi32, #tpu.memory_space<vmem>> -> memref<128xi32, #tpu.memory_space<vmem>>
      %dma_start3A_228 = arith.constant 0 : i32
      %dma_start3A_229 = arith.constant 0 : i32
      %dma_start3A_230 = tpu.memref_slice %arg2[%dma_start3A_228, %dma_start3A_229] : memref<100001x128xf32, #tpu.memory_space<hbm>> -> memref<100001x128xf32, #tpu.memory_space<hbm>>
      tpu.enqueue_indirect_dma source(%dma_start3A_230 : memref<100001x128xf32, #tpu.memory_space<hbm>>) target(%dma_start3A_224 : memref<128x128xf32, #tpu.memory_space<vmem>>) offsets(%dma_start3A_227 : memref<128xi32, #tpu.memory_space<vmem>>) semaphore(%arg9 : memref<!tpu.dma_semaphore, #tpu.memory_space<semaphore_mem>>)
      %mul3A_231 = arith.constant 2 : i32
      %mul3A_232 = arith.muli %add3A_215, %mul3A_231 : i32
      %add3A_233 = arith.constant 1 : i32
      %add3A_234 = arith.addi %mul3A_232, %add3A_233 : i32
      %dma_start3A_235 = arith.constant 2 : i32
      %dma_start3A_236 = arith.constant 128 : i32
      %dma_start3A_237 = arith.constant 0 : i32
      %dma_start3A_238 = tpu.memref_slice %arg6[%dma_start3A_235, %dma_start3A_236, %dma_start3A_237] : memref<3x256x128xf32, #tpu.memory_space<vmem>> -> memref<1x128x128xf32, #tpu.memory_space<vmem>>
      %dma_start3A_239 = tpu.memref_squeeze %dma_start3A_238 : memref<1x128x128xf32, #tpu.memory_space<vmem>> -> memref<128x128xf32, #tpu.memory_space<vmem>>
      %dma_start3A_240 = arith.constant 0 : i32
      %dma_start3A_241 = tpu.memref_slice %arg5[%add3A_234, %dma_start3A_240] : memref<200x128xi32, #tpu.memory_space<vmem>> -> memref<1x128xi32, #tpu.memory_space<vmem>>
      %dma_start3A_242 = tpu.memref_squeeze %dma_start3A_241 : memref<1x128xi32, #tpu.memory_space<vmem>> -> memref<128xi32, #tpu.memory_space<vmem>>
      %dma_start3A_243 = arith.constant 0 : i32
      %dma_start3A_244 = arith.constant 0 : i32
      %dma_start3A_245 = tpu.memref_slice %arg2[%dma_start3A_243, %dma_start3A_244] : memref<100001x128xf32, #tpu.memory_space<hbm>> -> memref<100001x128xf32, #tpu.memory_space<hbm>>
      tpu.enqueue_indirect_dma source(%dma_start3A_245 : memref<100001x128xf32, #tpu.memory_space<hbm>>) target(%dma_start3A_239 : memref<128x128xf32, #tpu.memory_space<vmem>>) offsets(%dma_start3A_242 : memref<128xi32, #tpu.memory_space<vmem>>) semaphore(%arg9 : memref<!tpu.dma_semaphore, #tpu.memory_space<semaphore_mem>>)
      %dma_wait3A_246 = arith.constant 0 : i32
      %dma_wait3A_247 = arith.constant 0 : i32
      %dma_wait3A_248 = arith.constant 0 : i32
      %dma_wait3A_249 = arith.constant 0 : i32
      %dma_wait3A_250 = tpu.memref_slice %arg6[%dma_wait3A_247, %dma_wait3A_248, %dma_wait3A_249] : memref<3x256x128xf32, #tpu.memory_space<vmem>> -> memref<1x128x128xf32, #tpu.memory_space<vmem>>
      %dma_wait3A_251 = tpu.memref_squeeze %dma_wait3A_250 : memref<1x128x128xf32, #tpu.memory_space<vmem>> -> memref<128x128xf32, #tpu.memory_space<vmem>>
      %dma_wait3A_252 = arith.constant 0 : i32
      %dma_wait3A_253 = tpu.memref_slice %arg5[%dma_wait3A_246, %dma_wait3A_252] : memref<200x128xi32, #tpu.memory_space<vmem>> -> memref<1x128xi32, #tpu.memory_space<vmem>>
      %dma_wait3A_254 = tpu.memref_squeeze %dma_wait3A_253 : memref<1x128xi32, #tpu.memory_space<vmem>> -> memref<128xi32, #tpu.memory_space<vmem>>
      %dma_wait3A_255 = arith.constant 0 : i32
      %dma_wait3A_256 = arith.constant 0 : i32
      %dma_wait3A_257 = tpu.memref_slice %arg2[%dma_wait3A_255, %dma_wait3A_256] : memref<100001x128xf32, #tpu.memory_space<hbm>> -> memref<100001x128xf32, #tpu.memory_space<hbm>>
      tpu.wait_indirect_dma semaphore(%arg7 : memref<!tpu.dma_semaphore, #tpu.memory_space<semaphore_mem>>) src(%dma_wait3A_257 : memref<100001x128xf32, #tpu.memory_space<hbm>>) dst(%dma_wait3A_251 : memref<128x128xf32, #tpu.memory_space<vmem>>)
      %dma_wait3A_258 = arith.constant 0 : i32
      %dma_wait3A_259 = arith.constant 0 : i32
      %dma_wait3A_260 = arith.constant 128 : i32
      %dma_wait3A_261 = arith.constant 0 : i32
      %dma_wait3A_262 = tpu.memref_slice %arg6[%dma_wait3A_259, %dma_wait3A_260, %dma_wait3A_261] : memref<3x256x128xf32, #tpu.memory_space<vmem>> -> memref<1x128x128xf32, #tpu.memory_space<vmem>>
      %dma_wait3A_263 = tpu.memref_squeeze %dma_wait3A_262 : memref<1x128x128xf32, #tpu.memory_space<vmem>> -> memref<128x128xf32, #tpu.memory_space<vmem>>
      %dma_wait3A_264 = arith.constant 0 : i32
      %dma_wait3A_265 = tpu.memref_slice %arg5[%dma_wait3A_258, %dma_wait3A_264] : memref<200x128xi32, #tpu.memory_space<vmem>> -> memref<1x128xi32, #tpu.memory_space<vmem>>
      %dma_wait3A_266 = tpu.memref_squeeze %dma_wait3A_265 : memref<1x128xi32, #tpu.memory_space<vmem>> -> memref<128xi32, #tpu.memory_space<vmem>>
      %dma_wait3A_267 = arith.constant 0 : i32
      %dma_wait3A_268 = arith.constant 0 : i32
      %dma_wait3A_269 = tpu.memref_slice %arg2[%dma_wait3A_267, %dma_wait3A_268] : memref<100001x128xf32, #tpu.memory_space<hbm>> -> memref<100001x128xf32, #tpu.memory_space<hbm>>
      tpu.wait_indirect_dma semaphore(%arg7 : memref<!tpu.dma_semaphore, #tpu.memory_space<semaphore_mem>>) src(%dma_wait3A_269 : memref<100001x128xf32, #tpu.memory_space<hbm>>) dst(%dma_wait3A_263 : memref<128x128xf32, #tpu.memory_space<vmem>>)
      %mul3A_270 = arith.constant 256 : i32
      %mul3A_271 = arith.muli %add3A_213, %mul3A_270 : i32
      %add3A_272 = arith.addi %mul3A_2, %mul3A_271 : i32
      %run_scoped3A_273 = arith.constant 0 : i32
      "tpu.region"() ({
        %run_scoped3A_402 = tpu.sem_alloc : memref<!tpu.dma_semaphore, #tpu.memory_space<semaphore_mem>>
        %dma_start3A_403 = arith.constant 0 : i32
        %dma_start3A_404 = arith.constant 0 : i32
        %dma_start3A_405 = tpu.memref_slice %arg6[%run_scoped3A_273, %dma_start3A_403, %dma_start3A_404] : memref<3x256x128xf32, #tpu.memory_space<vmem>> -> memref<1x256x128xf32, #tpu.memory_space<vmem>>
        %dma_start3A_406 = tpu.memref_squeeze %dma_start3A_405 : memref<1x256x128xf32, #tpu.memory_space<vmem>> -> memref<256x128xf32, #tpu.memory_space<vmem>>
        %dma_start3A_407 = arith.constant 0 : i32
        %dma_start3A_408 = tpu.memref_slice %arg4[%add3A_272, %dma_start3A_407] : memref<819200x128xf32, #tpu.memory_space<hbm>> -> memref<256x128xf32, #tpu.memory_space<hbm>>
        %dma_start3A_409 = arith.constant 0 : i32
        %dma_start3A_410 = tpu.memref_slice %arg4[%add3A_272, %dma_start3A_409] : memref<819200x128xf32, #tpu.memory_space<hbm>> -> memref<256x128xf32, #tpu.memory_space<hbm>>
        %dma_start3A_411 = arith.constant 0 : i32
        %dma_start3A_412 = arith.constant 0 : i32
        %dma_start3A_413 = tpu.memref_slice %arg6[%run_scoped3A_273, %dma_start3A_411, %dma_start3A_412] : memref<3x256x128xf32, #tpu.memory_space<vmem>> -> memref<1x256x128xf32, #tpu.memory_space<vmem>>
        %dma_start3A_414 = tpu.memref_squeeze %dma_start3A_413 : memref<1x256x128xf32, #tpu.memory_space<vmem>> -> memref<256x128xf32, #tpu.memory_space<vmem>>
        tpu.enqueue_dma source(%dma_start3A_414 : memref<256x128xf32, #tpu.memory_space<vmem>>) target(%dma_start3A_410 : memref<256x128xf32, #tpu.memory_space<hbm>>) target_semaphore(%run_scoped3A_402 : memref<!tpu.dma_semaphore, #tpu.memory_space<semaphore_mem>>)
        %dma_wait3A_415 = arith.constant 0 : i32
        %dma_wait3A_416 = arith.constant 0 : i32
        %dma_wait3A_417 = tpu.memref_slice %arg6[%run_scoped3A_273, %dma_wait3A_415, %dma_wait3A_416] : memref<3x256x128xf32, #tpu.memory_space<vmem>> -> memref<1x256x128xf32, #tpu.memory_space<vmem>>
        %dma_wait3A_418 = tpu.memref_squeeze %dma_wait3A_417 : memref<1x256x128xf32, #tpu.memory_space<vmem>> -> memref<256x128xf32, #tpu.memory_space<vmem>>
        %dma_wait3A_419 = arith.constant 0 : i32
        %dma_wait3A_420 = tpu.memref_slice %arg4[%add3A_272, %dma_wait3A_419] : memref<819200x128xf32, #tpu.memory_space<hbm>> -> memref<256x128xf32, #tpu.memory_space<hbm>>
        %dma_wait3A_421 = arith.constant 0 : i32
        %dma_wait3A_422 = tpu.memref_slice %arg4[%add3A_272, %dma_wait3A_421] : memref<819200x128xf32, #tpu.memory_space<hbm>> -> memref<256x128xf32, #tpu.memory_space<hbm>>
        %dma_wait3A_423 = arith.constant 0 : i32
        %dma_wait3A_424 = arith.constant 0 : i32
        %dma_wait3A_425 = tpu.memref_slice %arg6[%run_scoped3A_273, %dma_wait3A_423, %dma_wait3A_424] : memref<3x256x128xf32, #tpu.memory_space<vmem>> -> memref<1x256x128xf32, #tpu.memory_space<vmem>>
        %dma_wait3A_426 = tpu.memref_squeeze %dma_wait3A_425 : memref<1x256x128xf32, #tpu.memory_space<vmem>> -> memref<256x128xf32, #tpu.memory_space<vmem>>
        tpu.wait_dma2 semaphore(%run_scoped3A_402 : memref<!tpu.dma_semaphore, #tpu.memory_space<semaphore_mem>>) src(%dma_wait3A_426 : memref<256x128xf32, #tpu.memory_space<vmem>>) dst(%dma_wait3A_422 : memref<256x128xf32, #tpu.memory_space<hbm>>)
        tpu.yield
      }) : () -> ()
      %mul3A_274 = arith.constant 3 : i32
      %mul3A_275 = arith.muli %scan3A_209, %mul3A_274 : i32
      %add3A_276 = arith.constant 1 : i32
      %add3A_277 = arith.addi %mul3A_275, %add3A_276 : i32
      %add3A_278 = arith.constant 2 : i32
      %add3A_279 = arith.addi %add3A_277, %add3A_278 : i32
      %mul3A_280 = arith.constant 2 : i32
      %mul3A_281 = arith.muli %add3A_279, %mul3A_280 : i32
      %add3A_282 = arith.constant 0 : i32
      %add3A_283 = arith.addi %mul3A_281, %add3A_282 : i32
      %dma_start3A_284 = arith.constant 0 : i32
      %dma_start3A_285 = arith.constant 0 : i32
      %dma_start3A_286 = arith.constant 0 : i32
      %dma_start3A_287 = tpu.memref_slice %arg6[%dma_start3A_284, %dma_start3A_285, %dma_start3A_286] : memref<3x256x128xf32, #tpu.memory_space<vmem>> -> memref<1x128x128xf32, #tpu.memory_space<vmem>>
      %dma_start3A_288 = tpu.memref_squeeze %dma_start3A_287 : memref<1x128x128xf32, #tpu.memory_space<vmem>> -> memref<128x128xf32, #tpu.memory_space<vmem>>
      %dma_start3A_289 = arith.constant 0 : i32
      %dma_start3A_290 = tpu.memref_slice %arg5[%add3A_283, %dma_start3A_289] : memref<200x128xi32, #tpu.memory_space<vmem>> -> memref<1x128xi32, #tpu.memory_space<vmem>>
      %dma_start3A_291 = tpu.memref_squeeze %dma_start3A_290 : memref<1x128xi32, #tpu.memory_space<vmem>> -> memref<128xi32, #tpu.memory_space<vmem>>
      %dma_start3A_292 = arith.constant 0 : i32
      %dma_start3A_293 = arith.constant 0 : i32
      %dma_start3A_294 = tpu.memref_slice %arg2[%dma_start3A_292, %dma_start3A_293] : memref<100001x128xf32, #tpu.memory_space<hbm>> -> memref<100001x128xf32, #tpu.memory_space<hbm>>
      tpu.enqueue_indirect_dma source(%dma_start3A_294 : memref<100001x128xf32, #tpu.memory_space<hbm>>) target(%dma_start3A_288 : memref<128x128xf32, #tpu.memory_space<vmem>>) offsets(%dma_start3A_291 : memref<128xi32, #tpu.memory_space<vmem>>) semaphore(%arg7 : memref<!tpu.dma_semaphore, #tpu.memory_space<semaphore_mem>>)
      %mul3A_295 = arith.constant 2 : i32
      %mul3A_296 = arith.muli %add3A_279, %mul3A_295 : i32
      %add3A_297 = arith.constant 1 : i32
      %add3A_298 = arith.addi %mul3A_296, %add3A_297 : i32
      %dma_start3A_299 = arith.constant 0 : i32
      %dma_start3A_300 = arith.constant 128 : i32
      %dma_start3A_301 = arith.constant 0 : i32
      %dma_start3A_302 = tpu.memref_slice %arg6[%dma_start3A_299, %dma_start3A_300, %dma_start3A_301] : memref<3x256x128xf32, #tpu.memory_space<vmem>> -> memref<1x128x128xf32, #tpu.memory_space<vmem>>
      %dma_start3A_303 = tpu.memref_squeeze %dma_start3A_302 : memref<1x128x128xf32, #tpu.memory_space<vmem>> -> memref<128x128xf32, #tpu.memory_space<vmem>>
      %dma_start3A_304 = arith.constant 0 : i32
      %dma_start3A_305 = tpu.memref_slice %arg5[%add3A_298, %dma_start3A_304] : memref<200x128xi32, #tpu.memory_space<vmem>> -> memref<1x128xi32, #tpu.memory_space<vmem>>
      %dma_start3A_306 = tpu.memref_squeeze %dma_start3A_305 : memref<1x128xi32, #tpu.memory_space<vmem>> -> memref<128xi32, #tpu.memory_space<vmem>>
      %dma_start3A_307 = arith.constant 0 : i32
      %dma_start3A_308 = arith.constant 0 : i32
      %dma_start3A_309 = tpu.memref_slice %arg2[%dma_start3A_307, %dma_start3A_308] : memref<100001x128xf32, #tpu.memory_space<hbm>> -> memref<100001x128xf32, #tpu.memory_space<hbm>>
      tpu.enqueue_indirect_dma source(%dma_start3A_309 : memref<100001x128xf32, #tpu.memory_space<hbm>>) target(%dma_start3A_303 : memref<128x128xf32, #tpu.memory_space<vmem>>) offsets(%dma_start3A_306 : memref<128xi32, #tpu.memory_space<vmem>>) semaphore(%arg7 : memref<!tpu.dma_semaphore, #tpu.memory_space<semaphore_mem>>)
      %dma_wait3A_310 = arith.constant 0 : i32
      %dma_wait3A_311 = arith.constant 1 : i32
      %dma_wait3A_312 = arith.constant 0 : i32
      %dma_wait3A_313 = arith.constant 0 : i32
      %dma_wait3A_314 = tpu.memref_slice %arg6[%dma_wait3A_311, %dma_wait3A_312, %dma_wait3A_313] : memref<3x256x128xf32, #tpu.memory_space<vmem>> -> memref<1x128x128xf32, #tpu.memory_space<vmem>>
      %dma_wait3A_315 = tpu.memref_squeeze %dma_wait3A_314 : memref<1x128x128xf32, #tpu.memory_space<vmem>> -> memref<128x128xf32, #tpu.memory_space<vmem>>
      %dma_wait3A_316 = arith.constant 0 : i32
      %dma_wait3A_317 = tpu.memref_slice %arg5[%dma_wait3A_310, %dma_wait3A_316] : memref<200x128xi32, #tpu.memory_space<vmem>> -> memref<1x128xi32, #tpu.memory_space<vmem>>
      %dma_wait3A_318 = tpu.memref_squeeze %dma_wait3A_317 : memref<1x128xi32, #tpu.memory_space<vmem>> -> memref<128xi32, #tpu.memory_space<vmem>>
      %dma_wait3A_319 = arith.constant 0 : i32
      %dma_wait3A_320 = arith.constant 0 : i32
      %dma_wait3A_321 = tpu.memref_slice %arg2[%dma_wait3A_319, %dma_wait3A_320] : memref<100001x128xf32, #tpu.memory_space<hbm>> -> memref<100001x128xf32, #tpu.memory_space<hbm>>
      tpu.wait_indirect_dma semaphore(%arg8 : memref<!tpu.dma_semaphore, #tpu.memory_space<semaphore_mem>>) src(%dma_wait3A_321 : memref<100001x128xf32, #tpu.memory_space<hbm>>) dst(%dma_wait3A_315 : memref<128x128xf32, #tpu.memory_space<vmem>>)
      %dma_wait3A_322 = arith.constant 0 : i32
      %dma_wait3A_323 = arith.constant 1 : i32
      %dma_wait3A_324 = arith.constant 128 : i32
      %dma_wait3A_325 = arith.constant 0 : i32
      %dma_wait3A_326 = tpu.memref_slice %arg6[%dma_wait3A_323, %dma_wait3A_324, %dma_wait3A_325] : memref<3x256x128xf32, #tpu.memory_space<vmem>> -> memref<1x128x128xf32, #tpu.memory_space<vmem>>
      %dma_wait3A_327 = tpu.memref_squeeze %dma_wait3A_326 : memref<1x128x128xf32, #tpu.memory_space<vmem>> -> memref<128x128xf32, #tpu.memory_space<vmem>>
      %dma_wait3A_328 = arith.constant 0 : i32
      %dma_wait3A_329 = tpu.memref_slice %arg5[%dma_wait3A_322, %dma_wait3A_328] : memref<200x128xi32, #tpu.memory_space<vmem>> -> memref<1x128xi32, #tpu.memory_space<vmem>>
      %dma_wait3A_330 = tpu.memref_squeeze %dma_wait3A_329 : memref<1x128xi32, #tpu.memory_space<vmem>> -> memref<128xi32, #tpu.memory_space<vmem>>
      %dma_wait3A_331 = arith.constant 0 : i32
      %dma_wait3A_332 = arith.constant 0 : i32
      %dma_wait3A_333 = tpu.memref_slice %arg2[%dma_wait3A_331, %dma_wait3A_332] : memref<100001x128xf32, #tpu.memory_space<hbm>> -> memref<100001x128xf32, #tpu.memory_space<hbm>>
      tpu.wait_indirect_dma semaphore(%arg8 : memref<!tpu.dma_semaphore, #tpu.memory_space<semaphore_mem>>) src(%dma_wait3A_333 : memref<100001x128xf32, #tpu.memory_space<hbm>>) dst(%dma_wait3A_327 : memref<128x128xf32, #tpu.memory_space<vmem>>)
      %mul3A_334 = arith.constant 256 : i32
      %mul3A_335 = arith.muli %add3A_277, %mul3A_334 : i32
      %add3A_336 = arith.addi %mul3A_2, %mul3A_335 : i32
      %run_scoped3A_337 = arith.constant 1 : i32
      "tpu.region"() ({
        %run_scoped3A_402 = tpu.sem_alloc : memref<!tpu.dma_semaphore, #tpu.memory_space<semaphore_mem>>
        %dma_start3A_403 = arith.constant 0 : i32
        %dma_start3A_404 = arith.constant 0 : i32
        %dma_start3A_405 = tpu.memref_slice %arg6[%run_scoped3A_337, %dma_start3A_403, %dma_start3A_404] : memref<3x256x128xf32, #tpu.memory_space<vmem>> -> memref<1x256x128xf32, #tpu.memory_space<vmem>>
        %dma_start3A_406 = tpu.memref_squeeze %dma_start3A_405 : memref<1x256x128xf32, #tpu.memory_space<vmem>> -> memref<256x128xf32, #tpu.memory_space<vmem>>
        %dma_start3A_407 = arith.constant 0 : i32
        %dma_start3A_408 = tpu.memref_slice %arg4[%add3A_336, %dma_start3A_407] : memref<819200x128xf32, #tpu.memory_space<hbm>> -> memref<256x128xf32, #tpu.memory_space<hbm>>
        %dma_start3A_409 = arith.constant 0 : i32
        %dma_start3A_410 = tpu.memref_slice %arg4[%add3A_336, %dma_start3A_409] : memref<819200x128xf32, #tpu.memory_space<hbm>> -> memref<256x128xf32, #tpu.memory_space<hbm>>
        %dma_start3A_411 = arith.constant 0 : i32
        %dma_start3A_412 = arith.constant 0 : i32
        %dma_start3A_413 = tpu.memref_slice %arg6[%run_scoped3A_337, %dma_start3A_411, %dma_start3A_412] : memref<3x256x128xf32, #tpu.memory_space<vmem>> -> memref<1x256x128xf32, #tpu.memory_space<vmem>>
        %dma_start3A_414 = tpu.memref_squeeze %dma_start3A_413 : memref<1x256x128xf32, #tpu.memory_space<vmem>> -> memref<256x128xf32, #tpu.memory_space<vmem>>
        tpu.enqueue_dma source(%dma_start3A_414 : memref<256x128xf32, #tpu.memory_space<vmem>>) target(%dma_start3A_410 : memref<256x128xf32, #tpu.memory_space<hbm>>) target_semaphore(%run_scoped3A_402 : memref<!tpu.dma_semaphore, #tpu.memory_space<semaphore_mem>>)
        %dma_wait3A_415 = arith.constant 0 : i32
        %dma_wait3A_416 = arith.constant 0 : i32
        %dma_wait3A_417 = tpu.memref_slice %arg6[%run_scoped3A_337, %dma_wait3A_415, %dma_wait3A_416] : memref<3x256x128xf32, #tpu.memory_space<vmem>> -> memref<1x256x128xf32, #tpu.memory_space<vmem>>
        %dma_wait3A_418 = tpu.memref_squeeze %dma_wait3A_417 : memref<1x256x128xf32, #tpu.memory_space<vmem>> -> memref<256x128xf32, #tpu.memory_space<vmem>>
        %dma_wait3A_419 = arith.constant 0 : i32
        %dma_wait3A_420 = tpu.memref_slice %arg4[%add3A_336, %dma_wait3A_419] : memref<819200x128xf32, #tpu.memory_space<hbm>> -> memref<256x128xf32, #tpu.memory_space<hbm>>
        %dma_wait3A_421 = arith.constant 0 : i32
        %dma_wait3A_422 = tpu.memref_slice %arg4[%add3A_336, %dma_wait3A_421] : memref<819200x128xf32, #tpu.memory_space<hbm>> -> memref<256x128xf32, #tpu.memory_space<hbm>>
        %dma_wait3A_423 = arith.constant 0 : i32
        %dma_wait3A_424 = arith.constant 0 : i32
        %dma_wait3A_425 = tpu.memref_slice %arg6[%run_scoped3A_337, %dma_wait3A_423, %dma_wait3A_424] : memref<3x256x128xf32, #tpu.memory_space<vmem>> -> memref<1x256x128xf32, #tpu.memory_space<vmem>>
        %dma_wait3A_426 = tpu.memref_squeeze %dma_wait3A_425 : memref<1x256x128xf32, #tpu.memory_space<vmem>> -> memref<256x128xf32, #tpu.memory_space<vmem>>
        tpu.wait_dma2 semaphore(%run_scoped3A_402 : memref<!tpu.dma_semaphore, #tpu.memory_space<semaphore_mem>>) src(%dma_wait3A_426 : memref<256x128xf32, #tpu.memory_space<vmem>>) dst(%dma_wait3A_422 : memref<256x128xf32, #tpu.memory_space<hbm>>)
        tpu.yield
      }) : () -> ()
      %mul3A_338 = arith.constant 3 : i32
      %mul3A_339 = arith.muli %scan3A_209, %mul3A_338 : i32
      %add3A_340 = arith.constant 2 : i32
      %add3A_341 = arith.addi %mul3A_339, %add3A_340 : i32
      %add3A_342 = arith.constant 2 : i32
      %add3A_343 = arith.addi %add3A_341, %add3A_342 : i32
      %mul3A_344 = arith.constant 2 : i32
      %mul3A_345 = arith.muli %add3A_343, %mul3A_344 : i32
      %add3A_346 = arith.constant 0 : i32
      %add3A_347 = arith.addi %mul3A_345, %add3A_346 : i32
      %dma_start3A_348 = arith.constant 1 : i32
      %dma_start3A_349 = arith.constant 0 : i32
      %dma_start3A_350 = arith.constant 0 : i32
      %dma_start3A_351 = tpu.memref_slice %arg6[%dma_start3A_348, %dma_start3A_349, %dma_start3A_350] : memref<3x256x128xf32, #tpu.memory_space<vmem>> -> memref<1x128x128xf32, #tpu.memory_space<vmem>>
      %dma_start3A_352 = tpu.memref_squeeze %dma_start3A_351 : memref<1x128x128xf32, #tpu.memory_space<vmem>> -> memref<128x128xf32, #tpu.memory_space<vmem>>
      %dma_start3A_353 = arith.constant 0 : i32
      %dma_start3A_354 = tpu.memref_slice %arg5[%add3A_347, %dma_start3A_353] : memref<200x128xi32, #tpu.memory_space<vmem>> -> memref<1x128xi32, #tpu.memory_space<vmem>>
      %dma_start3A_355 = tpu.memref_squeeze %dma_start3A_354 : memref<1x128xi32, #tpu.memory_space<vmem>> -> memref<128xi32, #tpu.memory_space<vmem>>
      %dma_start3A_356 = arith.constant 0 : i32
      %dma_start3A_357 = arith.constant 0 : i32
      %dma_start3A_358 = tpu.memref_slice %arg2[%dma_start3A_356, %dma_start3A_357] : memref<100001x128xf32, #tpu.memory_space<hbm>> -> memref<100001x128xf32, #tpu.memory_space<hbm>>
      tpu.enqueue_indirect_dma source(%dma_start3A_358 : memref<100001x128xf32, #tpu.memory_space<hbm>>) target(%dma_start3A_352 : memref<128x128xf32, #tpu.memory_space<vmem>>) offsets(%dma_start3A_355 : memref<128xi32, #tpu.memory_space<vmem>>) semaphore(%arg8 : memref<!tpu.dma_semaphore, #tpu.memory_space<semaphore_mem>>)
      %mul3A_359 = arith.constant 2 : i32
      %mul3A_360 = arith.muli %add3A_343, %mul3A_359 : i32
      %add3A_361 = arith.constant 1 : i32
      %add3A_362 = arith.addi %mul3A_360, %add3A_361 : i32
      %dma_start3A_363 = arith.constant 1 : i32
      %dma_start3A_364 = arith.constant 128 : i32
      %dma_start3A_365 = arith.constant 0 : i32
      %dma_start3A_366 = tpu.memref_slice %arg6[%dma_start3A_363, %dma_start3A_364, %dma_start3A_365] : memref<3x256x128xf32, #tpu.memory_space<vmem>> -> memref<1x128x128xf32, #tpu.memory_space<vmem>>
      %dma_start3A_367 = tpu.memref_squeeze %dma_start3A_366 : memref<1x128x128xf32, #tpu.memory_space<vmem>> -> memref<128x128xf32, #tpu.memory_space<vmem>>
      %dma_start3A_368 = arith.constant 0 : i32
      %dma_start3A_369 = tpu.memref_slice %arg5[%add3A_362, %dma_start3A_368] : memref<200x128xi32, #tpu.memory_space<vmem>> -> memref<1x128xi32, #tpu.memory_space<vmem>>
      %dma_start3A_370 = tpu.memref_squeeze %dma_start3A_369 : memref<1x128xi32, #tpu.memory_space<vmem>> -> memref<128xi32, #tpu.memory_space<vmem>>
      %dma_start3A_371 = arith.constant 0 : i32
      %dma_start3A_372 = arith.constant 0 : i32
      %dma_start3A_373 = tpu.memref_slice %arg2[%dma_start3A_371, %dma_start3A_372] : memref<100001x128xf32, #tpu.memory_space<hbm>> -> memref<100001x128xf32, #tpu.memory_space<hbm>>
      tpu.enqueue_indirect_dma source(%dma_start3A_373 : memref<100001x128xf32, #tpu.memory_space<hbm>>) target(%dma_start3A_367 : memref<128x128xf32, #tpu.memory_space<vmem>>) offsets(%dma_start3A_370 : memref<128xi32, #tpu.memory_space<vmem>>) semaphore(%arg8 : memref<!tpu.dma_semaphore, #tpu.memory_space<semaphore_mem>>)
      %dma_wait3A_374 = arith.constant 0 : i32
      %dma_wait3A_375 = arith.constant 2 : i32
      %dma_wait3A_376 = arith.constant 0 : i32
      %dma_wait3A_377 = arith.constant 0 : i32
      %dma_wait3A_378 = tpu.memref_slice %arg6[%dma_wait3A_375, %dma_wait3A_376, %dma_wait3A_377] : memref<3x256x128xf32, #tpu.memory_space<vmem>> -> memref<1x128x128xf32, #tpu.memory_space<vmem>>
      %dma_wait3A_379 = tpu.memref_squeeze %dma_wait3A_378 : memref<1x128x128xf32, #tpu.memory_space<vmem>> -> memref<128x128xf32, #tpu.memory_space<vmem>>
      %dma_wait3A_380 = arith.constant 0 : i32
      %dma_wait3A_381 = tpu.memref_slice %arg5[%dma_wait3A_374, %dma_wait3A_380] : memref<200x128xi32, #tpu.memory_space<vmem>> -> memref<1x128xi32, #tpu.memory_space<vmem>>
      %dma_wait3A_382 = tpu.memref_squeeze %dma_wait3A_381 : memref<1x128xi32, #tpu.memory_space<vmem>> -> memref<128xi32, #tpu.memory_space<vmem>>
      %dma_wait3A_383 = arith.constant 0 : i32
      %dma_wait3A_384 = arith.constant 0 : i32
      %dma_wait3A_385 = tpu.memref_slice %arg2[%dma_wait3A_383, %dma_wait3A_384] : memref<100001x128xf32, #tpu.memory_space<hbm>> -> memref<100001x128xf32, #tpu.memory_space<hbm>>
      tpu.wait_indirect_dma semaphore(%arg9 : memref<!tpu.dma_semaphore, #tpu.memory_space<semaphore_mem>>) src(%dma_wait3A_385 : memref<100001x128xf32, #tpu.memory_space<hbm>>) dst(%dma_wait3A_379 : memref<128x128xf32, #tpu.memory_space<vmem>>)
      %dma_wait3A_386 = arith.constant 0 : i32
      %dma_wait3A_387 = arith.constant 2 : i32
      %dma_wait3A_388 = arith.constant 128 : i32
      %dma_wait3A_389 = arith.constant 0 : i32
      %dma_wait3A_390 = tpu.memref_slice %arg6[%dma_wait3A_387, %dma_wait3A_388, %dma_wait3A_389] : memref<3x256x128xf32, #tpu.memory_space<vmem>> -> memref<1x128x128xf32, #tpu.memory_space<vmem>>
      %dma_wait3A_391 = tpu.memref_squeeze %dma_wait3A_390 : memref<1x128x128xf32, #tpu.memory_space<vmem>> -> memref<128x128xf32, #tpu.memory_space<vmem>>
      %dma_wait3A_392 = arith.constant 0 : i32
      %dma_wait3A_393 = tpu.memref_slice %arg5[%dma_wait3A_386, %dma_wait3A_392] : memref<200x128xi32, #tpu.memory_space<vmem>> -> memref<1x128xi32, #tpu.memory_space<vmem>>
      %dma_wait3A_394 = tpu.memref_squeeze %dma_wait3A_393 : memref<1x128xi32, #tpu.memory_space<vmem>> -> memref<128xi32, #tpu.memory_space<vmem>>
      %dma_wait3A_395 = arith.constant 0 : i32
      %dma_wait3A_396 = arith.constant 0 : i32
      %dma_wait3A_397 = tpu.memref_slice %arg2[%dma_wait3A_395, %dma_wait3A_396] : memref<100001x128xf32, #tpu.memory_space<hbm>> -> memref<100001x128xf32, #tpu.memory_space<hbm>>
      tpu.wait_indirect_dma semaphore(%arg9 : memref<!tpu.dma_semaphore, #tpu.memory_space<semaphore_mem>>) src(%dma_wait3A_397 : memref<100001x128xf32, #tpu.memory_space<hbm>>) dst(%dma_wait3A_391 : memref<128x128xf32, #tpu.memory_space<vmem>>)
      %mul3A_398 = arith.constant 256 : i32
      %mul3A_399 = arith.muli %add3A_341, %mul3A_398 : i32
      %add3A_400 = arith.addi %mul3A_2, %mul3A_399 : i32
      %run_scoped3A_401 = arith.constant 2 : i32
      "tpu.region"() ({
        %run_scoped3A_402 = tpu.sem_alloc : memref<!tpu.dma_semaphore, #tpu.memory_space<semaphore_mem>>
        %dma_start3A_403 = arith.constant 0 : i32
        %dma_start3A_404 = arith.constant 0 : i32
        %dma_start3A_405 = tpu.memref_slice %arg6[%run_scoped3A_401, %dma_start3A_403, %dma_start3A_404] : memref<3x256x128xf32, #tpu.memory_space<vmem>> -> memref<1x256x128xf32, #tpu.memory_space<vmem>>
        %dma_start3A_406 = tpu.memref_squeeze %dma_start3A_405 : memref<1x256x128xf32, #tpu.memory_space<vmem>> -> memref<256x128xf32, #tpu.memory_space<vmem>>
        %dma_start3A_407 = arith.constant 0 : i32
        %dma_start3A_408 = tpu.memref_slice %arg4[%add3A_400, %dma_start3A_407] : memref<819200x128xf32, #tpu.memory_space<hbm>> -> memref<256x128xf32, #tpu.memory_space<hbm>>
        %dma_start3A_409 = arith.constant 0 : i32
        %dma_start3A_410 = tpu.memref_slice %arg4[%add3A_400, %dma_start3A_409] : memref<819200x128xf32, #tpu.memory_space<hbm>> -> memref<256x128xf32, #tpu.memory_space<hbm>>
        %dma_start3A_411 = arith.constant 0 : i32
        %dma_start3A_412 = arith.constant 0 : i32
        %dma_start3A_413 = tpu.memref_slice %arg6[%run_scoped3A_401, %dma_start3A_411, %dma_start3A_412] : memref<3x256x128xf32, #tpu.memory_space<vmem>> -> memref<1x256x128xf32, #tpu.memory_space<vmem>>
        %dma_start3A_414 = tpu.memref_squeeze %dma_start3A_413 : memref<1x256x128xf32, #tpu.memory_space<vmem>> -> memref<256x128xf32, #tpu.memory_space<vmem>>
        tpu.enqueue_dma source(%dma_start3A_414 : memref<256x128xf32, #tpu.memory_space<vmem>>) target(%dma_start3A_410 : memref<256x128xf32, #tpu.memory_space<hbm>>) target_semaphore(%run_scoped3A_402 : memref<!tpu.dma_semaphore, #tpu.memory_space<semaphore_mem>>)
        %dma_wait3A_415 = arith.constant 0 : i32
        %dma_wait3A_416 = arith.constant 0 : i32
        %dma_wait3A_417 = tpu.memref_slice %arg6[%run_scoped3A_401, %dma_wait3A_415, %dma_wait3A_416] : memref<3x256x128xf32, #tpu.memory_space<vmem>> -> memref<1x256x128xf32, #tpu.memory_space<vmem>>
        %dma_wait3A_418 = tpu.memref_squeeze %dma_wait3A_417 : memref<1x256x128xf32, #tpu.memory_space<vmem>> -> memref<256x128xf32, #tpu.memory_space<vmem>>
        %dma_wait3A_419 = arith.constant 0 : i32
        %dma_wait3A_420 = tpu.memref_slice %arg4[%add3A_400, %dma_wait3A_419] : memref<819200x128xf32, #tpu.memory_space<hbm>> -> memref<256x128xf32, #tpu.memory_space<hbm>>
        %dma_wait3A_421 = arith.constant 0 : i32
        %dma_wait3A_422 = tpu.memref_slice %arg4[%add3A_400, %dma_wait3A_421] : memref<819200x128xf32, #tpu.memory_space<hbm>> -> memref<256x128xf32, #tpu.memory_space<hbm>>
        %dma_wait3A_423 = arith.constant 0 : i32
        %dma_wait3A_424 = arith.constant 0 : i32
        %dma_wait3A_425 = tpu.memref_slice %arg6[%run_scoped3A_401, %dma_wait3A_423, %dma_wait3A_424] : memref<3x256x128xf32, #tpu.memory_space<vmem>> -> memref<1x256x128xf32, #tpu.memory_space<vmem>>
        %dma_wait3A_426 = tpu.memref_squeeze %dma_wait3A_425 : memref<1x256x128xf32, #tpu.memory_space<vmem>> -> memref<256x128xf32, #tpu.memory_space<vmem>>
        tpu.wait_dma2 semaphore(%run_scoped3A_402 : memref<!tpu.dma_semaphore, #tpu.memory_space<semaphore_mem>>) src(%dma_wait3A_426 : memref<256x128xf32, #tpu.memory_space<vmem>>) dst(%dma_wait3A_422 : memref<256x128xf32, #tpu.memory_space<hbm>>)
        tpu.yield
      }) : () -> ()
    }
    %scan3A_54 = arith.constant 32 : i32
    %dma_start3A_55 = arith.constant 196 : i32
    %dma_start3A_56 = arith.constant 2 : i32
    %dma_start3A_57 = arith.constant 0 : i32
    %dma_start3A_58 = arith.constant 0 : i32
    %dma_start3A_59 = tpu.memref_slice %arg6[%dma_start3A_56, %dma_start3A_57, %dma_start3A_58] : memref<3x256x128xf32, #tpu.memory_space<vmem>> -> memref<1x128x128xf32, #tpu.memory_space<vmem>>
    %dma_start3A_60 = tpu.memref_squeeze %dma_start3A_59 : memref<1x128x128xf32, #tpu.memory_space<vmem>> -> memref<128x128xf32, #tpu.memory_space<vmem>>
    %dma_start3A_61 = arith.constant 0 : i32
    %dma_start3A_62 = tpu.memref_slice %arg5[%dma_start3A_55, %dma_start3A_61] : memref<200x128xi32, #tpu.memory_space<vmem>> -> memref<1x128xi32, #tpu.memory_space<vmem>>
    %dma_start3A_63 = tpu.memref_squeeze %dma_start3A_62 : memref<1x128xi32, #tpu.memory_space<vmem>> -> memref<128xi32, #tpu.memory_space<vmem>>
    %dma_start3A_64 = arith.constant 0 : i32
    %dma_start3A_65 = arith.constant 0 : i32
    %dma_start3A_66 = tpu.memref_slice %arg2[%dma_start3A_64, %dma_start3A_65] : memref<100001x128xf32, #tpu.memory_space<hbm>> -> memref<100001x128xf32, #tpu.memory_space<hbm>>
    tpu.enqueue_indirect_dma source(%dma_start3A_66 : memref<100001x128xf32, #tpu.memory_space<hbm>>) target(%dma_start3A_60 : memref<128x128xf32, #tpu.memory_space<vmem>>) offsets(%dma_start3A_63 : memref<128xi32, #tpu.memory_space<vmem>>) semaphore(%arg9 : memref<!tpu.dma_semaphore, #tpu.memory_space<semaphore_mem>>)
    %dma_start3A_67 = arith.constant 197 : i32
    %dma_start3A_68 = arith.constant 2 : i32
    %dma_start3A_69 = arith.constant 128 : i32
    %dma_start3A_70 = arith.constant 0 : i32
    %dma_start3A_71 = tpu.memref_slice %arg6[%dma_start3A_68, %dma_start3A_69, %dma_start3A_70] : memref<3x256x128xf32, #tpu.memory_space<vmem>> -> memref<1x128x128xf32, #tpu.memory_space<vmem>>
    %dma_start3A_72 = tpu.memref_squeeze %dma_start3A_71 : memref<1x128x128xf32, #tpu.memory_space<vmem>> -> memref<128x128xf32, #tpu.memory_space<vmem>>
    %dma_start3A_73 = arith.constant 0 : i32
    %dma_start3A_74 = tpu.memref_slice %arg5[%dma_start3A_67, %dma_start3A_73] : memref<200x128xi32, #tpu.memory_space<vmem>> -> memref<1x128xi32, #tpu.memory_space<vmem>>
    %dma_start3A_75 = tpu.memref_squeeze %dma_start3A_74 : memref<1x128xi32, #tpu.memory_space<vmem>> -> memref<128xi32, #tpu.memory_space<vmem>>
    %dma_start3A_76 = arith.constant 0 : i32
    %dma_start3A_77 = arith.constant 0 : i32
    %dma_start3A_78 = tpu.memref_slice %arg2[%dma_start3A_76, %dma_start3A_77] : memref<100001x128xf32, #tpu.memory_space<hbm>> -> memref<100001x128xf32, #tpu.memory_space<hbm>>
    tpu.enqueue_indirect_dma source(%dma_start3A_78 : memref<100001x128xf32, #tpu.memory_space<hbm>>) target(%dma_start3A_72 : memref<128x128xf32, #tpu.memory_space<vmem>>) offsets(%dma_start3A_75 : memref<128xi32, #tpu.memory_space<vmem>>) semaphore(%arg9 : memref<!tpu.dma_semaphore, #tpu.memory_space<semaphore_mem>>)
    %dma_wait3A = arith.constant 0 : i32
    %dma_wait3A_79 = arith.constant 0 : i32
    %dma_wait3A_80 = arith.constant 0 : i32
    %dma_wait3A_81 = arith.constant 0 : i32
    %dma_wait3A_82 = tpu.memref_slice %arg6[%dma_wait3A_79, %dma_wait3A_80, %dma_wait3A_81] : memref<3x256x128xf32, #tpu.memory_space<vmem>> -> memref<1x128x128xf32, #tpu.memory_space<vmem>>
    %dma_wait3A_83 = tpu.memref_squeeze %dma_wait3A_82 : memref<1x128x128xf32, #tpu.memory_space<vmem>> -> memref<128x128xf32, #tpu.memory_space<vmem>>
    %dma_wait3A_84 = arith.constant 0 : i32
    %dma_wait3A_85 = tpu.memref_slice %arg5[%dma_wait3A, %dma_wait3A_84] : memref<200x128xi32, #tpu.memory_space<vmem>> -> memref<1x128xi32, #tpu.memory_space<vmem>>
    %dma_wait3A_86 = tpu.memref_squeeze %dma_wait3A_85 : memref<1x128xi32, #tpu.memory_space<vmem>> -> memref<128xi32, #tpu.memory_space<vmem>>
    %dma_wait3A_87 = arith.constant 0 : i32
    %dma_wait3A_88 = arith.constant 0 : i32
    %dma_wait3A_89 = tpu.memref_slice %arg2[%dma_wait3A_87, %dma_wait3A_88] : memref<100001x128xf32, #tpu.memory_space<hbm>> -> memref<100001x128xf32, #tpu.memory_space<hbm>>
    tpu.wait_indirect_dma semaphore(%arg7 : memref<!tpu.dma_semaphore, #tpu.memory_space<semaphore_mem>>) src(%dma_wait3A_89 : memref<100001x128xf32, #tpu.memory_space<hbm>>) dst(%dma_wait3A_83 : memref<128x128xf32, #tpu.memory_space<vmem>>)
    %dma_wait3A_90 = arith.constant 0 : i32
    %dma_wait3A_91 = arith.constant 0 : i32
    %dma_wait3A_92 = arith.constant 128 : i32
    %dma_wait3A_93 = arith.constant 0 : i32
    %dma_wait3A_94 = tpu.memref_slice %arg6[%dma_wait3A_91, %dma_wait3A_92, %dma_wait3A_93] : memref<3x256x128xf32, #tpu.memory_space<vmem>> -> memref<1x128x128xf32, #tpu.memory_space<vmem>>
    %dma_wait3A_95 = tpu.memref_squeeze %dma_wait3A_94 : memref<1x128x128xf32, #tpu.memory_space<vmem>> -> memref<128x128xf32, #tpu.memory_space<vmem>>
    %dma_wait3A_96 = arith.constant 0 : i32
    %dma_wait3A_97 = tpu.memref_slice %arg5[%dma_wait3A_90, %dma_wait3A_96] : memref<200x128xi32, #tpu.memory_space<vmem>> -> memref<1x128xi32, #tpu.memory_space<vmem>>
    %dma_wait3A_98 = tpu.memref_squeeze %dma_wait3A_97 : memref<1x128xi32, #tpu.memory_space<vmem>> -> memref<128xi32, #tpu.memory_space<vmem>>
    %dma_wait3A_99 = arith.constant 0 : i32
    %dma_wait3A_100 = arith.constant 0 : i32
    %dma_wait3A_101 = tpu.memref_slice %arg2[%dma_wait3A_99, %dma_wait3A_100] : memref<100001x128xf32, #tpu.memory_space<hbm>> -> memref<100001x128xf32, #tpu.memory_space<hbm>>
    tpu.wait_indirect_dma semaphore(%arg7 : memref<!tpu.dma_semaphore, #tpu.memory_space<semaphore_mem>>) src(%dma_wait3A_101 : memref<100001x128xf32, #tpu.memory_space<hbm>>) dst(%dma_wait3A_95 : memref<128x128xf32, #tpu.memory_space<vmem>>)
    %add3A_102 = arith.constant 24576 : i32
    %add3A_103 = arith.addi %mul3A_2, %add3A_102 : i32
    %run_scoped3A = arith.constant 0 : i32
    "tpu.region"() ({
      %run_scoped3A_209 = tpu.sem_alloc : memref<!tpu.dma_semaphore, #tpu.memory_space<semaphore_mem>>
      %dma_start3A_210 = arith.constant 0 : i32
      %dma_start3A_211 = arith.constant 0 : i32
      %dma_start3A_212 = tpu.memref_slice %arg6[%run_scoped3A, %dma_start3A_210, %dma_start3A_211] : memref<3x256x128xf32, #tpu.memory_space<vmem>> -> memref<1x256x128xf32, #tpu.memory_space<vmem>>
      %dma_start3A_213 = tpu.memref_squeeze %dma_start3A_212 : memref<1x256x128xf32, #tpu.memory_space<vmem>> -> memref<256x128xf32, #tpu.memory_space<vmem>>
      %dma_start3A_214 = arith.constant 0 : i32
      %dma_start3A_215 = tpu.memref_slice %arg4[%add3A_103, %dma_start3A_214] : memref<819200x128xf32, #tpu.memory_space<hbm>> -> memref<256x128xf32, #tpu.memory_space<hbm>>
      %dma_start3A_216 = arith.constant 0 : i32
      %dma_start3A_217 = tpu.memref_slice %arg4[%add3A_103, %dma_start3A_216] : memref<819200x128xf32, #tpu.memory_space<hbm>> -> memref<256x128xf32, #tpu.memory_space<hbm>>
      %dma_start3A_218 = arith.constant 0 : i32
      %dma_start3A_219 = arith.constant 0 : i32
      %dma_start3A_220 = tpu.memref_slice %arg6[%run_scoped3A, %dma_start3A_218, %dma_start3A_219] : memref<3x256x128xf32, #tpu.memory_space<vmem>> -> memref<1x256x128xf32, #tpu.memory_space<vmem>>
      %dma_start3A_221 = tpu.memref_squeeze %dma_start3A_220 : memref<1x256x128xf32, #tpu.memory_space<vmem>> -> memref<256x128xf32, #tpu.memory_space<vmem>>
      tpu.enqueue_dma source(%dma_start3A_221 : memref<256x128xf32, #tpu.memory_space<vmem>>) target(%dma_start3A_217 : memref<256x128xf32, #tpu.memory_space<hbm>>) target_semaphore(%run_scoped3A_209 : memref<!tpu.dma_semaphore, #tpu.memory_space<semaphore_mem>>)
      %dma_wait3A_222 = arith.constant 0 : i32
      %dma_wait3A_223 = arith.constant 0 : i32
      %dma_wait3A_224 = tpu.memref_slice %arg6[%run_scoped3A, %dma_wait3A_222, %dma_wait3A_223] : memref<3x256x128xf32, #tpu.memory_space<vmem>> -> memref<1x256x128xf32, #tpu.memory_space<vmem>>
      %dma_wait3A_225 = tpu.memref_squeeze %dma_wait3A_224 : memref<1x256x128xf32, #tpu.memory_space<vmem>> -> memref<256x128xf32, #tpu.memory_space<vmem>>
      %dma_wait3A_226 = arith.constant 0 : i32
      %dma_wait3A_227 = tpu.memref_slice %arg4[%add3A_103, %dma_wait3A_226] : memref<819200x128xf32, #tpu.memory_space<hbm>> -> memref<256x128xf32, #tpu.memory_space<hbm>>
      %dma_wait3A_228 = arith.constant 0 : i32
      %dma_wait3A_229 = tpu.memref_slice %arg4[%add3A_103, %dma_wait3A_228] : memref<819200x128xf32, #tpu.memory_space<hbm>> -> memref<256x128xf32, #tpu.memory_space<hbm>>
      %dma_wait3A_230 = arith.constant 0 : i32
      %dma_wait3A_231 = arith.constant 0 : i32
      %dma_wait3A_232 = tpu.memref_slice %arg6[%run_scoped3A, %dma_wait3A_230, %dma_wait3A_231] : memref<3x256x128xf32, #tpu.memory_space<vmem>> -> memref<1x256x128xf32, #tpu.memory_space<vmem>>
      %dma_wait3A_233 = tpu.memref_squeeze %dma_wait3A_232 : memref<1x256x128xf32, #tpu.memory_space<vmem>> -> memref<256x128xf32, #tpu.memory_space<vmem>>
      tpu.wait_dma2 semaphore(%run_scoped3A_209 : memref<!tpu.dma_semaphore, #tpu.memory_space<semaphore_mem>>) src(%dma_wait3A_233 : memref<256x128xf32, #tpu.memory_space<vmem>>) dst(%dma_wait3A_229 : memref<256x128xf32, #tpu.memory_space<hbm>>)
      tpu.yield
    }) : () -> ()
    %dma_start3A_104 = arith.constant 198 : i32
    %dma_start3A_105 = arith.constant 0 : i32
    %dma_start3A_106 = arith.constant 0 : i32
    %dma_start3A_107 = arith.constant 0 : i32
    %dma_start3A_108 = tpu.memref_slice %arg6[%dma_start3A_105, %dma_start3A_106, %dma_start3A_107] : memref<3x256x128xf32, #tpu.memory_space<vmem>> -> memref<1x128x128xf32, #tpu.memory_space<vmem>>
    %dma_start3A_109 = tpu.memref_squeeze %dma_start3A_108 : memref<1x128x128xf32, #tpu.memory_space<vmem>> -> memref<128x128xf32, #tpu.memory_space<vmem>>
    %dma_start3A_110 = arith.constant 0 : i32
    %dma_start3A_111 = tpu.memref_slice %arg5[%dma_start3A_104, %dma_start3A_110] : memref<200x128xi32, #tpu.memory_space<vmem>> -> memref<1x128xi32, #tpu.memory_space<vmem>>
    %dma_start3A_112 = tpu.memref_squeeze %dma_start3A_111 : memref<1x128xi32, #tpu.memory_space<vmem>> -> memref<128xi32, #tpu.memory_space<vmem>>
    %dma_start3A_113 = arith.constant 0 : i32
    %dma_start3A_114 = arith.constant 0 : i32
    %dma_start3A_115 = tpu.memref_slice %arg2[%dma_start3A_113, %dma_start3A_114] : memref<100001x128xf32, #tpu.memory_space<hbm>> -> memref<100001x128xf32, #tpu.memory_space<hbm>>
    tpu.enqueue_indirect_dma source(%dma_start3A_115 : memref<100001x128xf32, #tpu.memory_space<hbm>>) target(%dma_start3A_109 : memref<128x128xf32, #tpu.memory_space<vmem>>) offsets(%dma_start3A_112 : memref<128xi32, #tpu.memory_space<vmem>>) semaphore(%arg7 : memref<!tpu.dma_semaphore, #tpu.memory_space<semaphore_mem>>)
    %dma_start3A_116 = arith.constant 199 : i32
    %dma_start3A_117 = arith.constant 0 : i32
    %dma_start3A_118 = arith.constant 128 : i32
    %dma_start3A_119 = arith.constant 0 : i32
    %dma_start3A_120 = tpu.memref_slice %arg6[%dma_start3A_117, %dma_start3A_118, %dma_start3A_119] : memref<3x256x128xf32, #tpu.memory_space<vmem>> -> memref<1x128x128xf32, #tpu.memory_space<vmem>>
    %dma_start3A_121 = tpu.memref_squeeze %dma_start3A_120 : memref<1x128x128xf32, #tpu.memory_space<vmem>> -> memref<128x128xf32, #tpu.memory_space<vmem>>
    %dma_start3A_122 = arith.constant 0 : i32
    %dma_start3A_123 = tpu.memref_slice %arg5[%dma_start3A_116, %dma_start3A_122] : memref<200x128xi32, #tpu.memory_space<vmem>> -> memref<1x128xi32, #tpu.memory_space<vmem>>
    %dma_start3A_124 = tpu.memref_squeeze %dma_start3A_123 : memref<1x128xi32, #tpu.memory_space<vmem>> -> memref<128xi32, #tpu.memory_space<vmem>>
    %dma_start3A_125 = arith.constant 0 : i32
    %dma_start3A_126 = arith.constant 0 : i32
    %dma_start3A_127 = tpu.memref_slice %arg2[%dma_start3A_125, %dma_start3A_126] : memref<100001x128xf32, #tpu.memory_space<hbm>> -> memref<100001x128xf32, #tpu.memory_space<hbm>>
    tpu.enqueue_indirect_dma source(%dma_start3A_127 : memref<100001x128xf32, #tpu.memory_space<hbm>>) target(%dma_start3A_121 : memref<128x128xf32, #tpu.memory_space<vmem>>) offsets(%dma_start3A_124 : memref<128xi32, #tpu.memory_space<vmem>>) semaphore(%arg7 : memref<!tpu.dma_semaphore, #tpu.memory_space<semaphore_mem>>)
    %dma_wait3A_128 = arith.constant 0 : i32
    %dma_wait3A_129 = arith.constant 1 : i32
    %dma_wait3A_130 = arith.constant 0 : i32
    %dma_wait3A_131 = arith.constant 0 : i32
    %dma_wait3A_132 = tpu.memref_slice %arg6[%dma_wait3A_129, %dma_wait3A_130, %dma_wait3A_131] : memref<3x256x128xf32, #tpu.memory_space<vmem>> -> memref<1x128x128xf32, #tpu.memory_space<vmem>>
    %dma_wait3A_133 = tpu.memref_squeeze %dma_wait3A_132 : memref<1x128x128xf32, #tpu.memory_space<vmem>> -> memref<128x128xf32, #tpu.memory_space<vmem>>
    %dma_wait3A_134 = arith.constant 0 : i32
    %dma_wait3A_135 = tpu.memref_slice %arg5[%dma_wait3A_128, %dma_wait3A_134] : memref<200x128xi32, #tpu.memory_space<vmem>> -> memref<1x128xi32, #tpu.memory_space<vmem>>
    %dma_wait3A_136 = tpu.memref_squeeze %dma_wait3A_135 : memref<1x128xi32, #tpu.memory_space<vmem>> -> memref<128xi32, #tpu.memory_space<vmem>>
    %dma_wait3A_137 = arith.constant 0 : i32
    %dma_wait3A_138 = arith.constant 0 : i32
    %dma_wait3A_139 = tpu.memref_slice %arg2[%dma_wait3A_137, %dma_wait3A_138] : memref<100001x128xf32, #tpu.memory_space<hbm>> -> memref<100001x128xf32, #tpu.memory_space<hbm>>
    tpu.wait_indirect_dma semaphore(%arg8 : memref<!tpu.dma_semaphore, #tpu.memory_space<semaphore_mem>>) src(%dma_wait3A_139 : memref<100001x128xf32, #tpu.memory_space<hbm>>) dst(%dma_wait3A_133 : memref<128x128xf32, #tpu.memory_space<vmem>>)
    %dma_wait3A_140 = arith.constant 0 : i32
    %dma_wait3A_141 = arith.constant 1 : i32
    %dma_wait3A_142 = arith.constant 128 : i32
    %dma_wait3A_143 = arith.constant 0 : i32
    %dma_wait3A_144 = tpu.memref_slice %arg6[%dma_wait3A_141, %dma_wait3A_142, %dma_wait3A_143] : memref<3x256x128xf32, #tpu.memory_space<vmem>> -> memref<1x128x128xf32, #tpu.memory_space<vmem>>
    %dma_wait3A_145 = tpu.memref_squeeze %dma_wait3A_144 : memref<1x128x128xf32, #tpu.memory_space<vmem>> -> memref<128x128xf32, #tpu.memory_space<vmem>>
    %dma_wait3A_146 = arith.constant 0 : i32
    %dma_wait3A_147 = tpu.memref_slice %arg5[%dma_wait3A_140, %dma_wait3A_146] : memref<200x128xi32, #tpu.memory_space<vmem>> -> memref<1x128xi32, #tpu.memory_space<vmem>>
    %dma_wait3A_148 = tpu.memref_squeeze %dma_wait3A_147 : memref<1x128xi32, #tpu.memory_space<vmem>> -> memref<128xi32, #tpu.memory_space<vmem>>
    %dma_wait3A_149 = arith.constant 0 : i32
    %dma_wait3A_150 = arith.constant 0 : i32
    %dma_wait3A_151 = tpu.memref_slice %arg2[%dma_wait3A_149, %dma_wait3A_150] : memref<100001x128xf32, #tpu.memory_space<hbm>> -> memref<100001x128xf32, #tpu.memory_space<hbm>>
    tpu.wait_indirect_dma semaphore(%arg8 : memref<!tpu.dma_semaphore, #tpu.memory_space<semaphore_mem>>) src(%dma_wait3A_151 : memref<100001x128xf32, #tpu.memory_space<hbm>>) dst(%dma_wait3A_145 : memref<128x128xf32, #tpu.memory_space<vmem>>)
    %add3A_152 = arith.constant 24832 : i32
    %add3A_153 = arith.addi %mul3A_2, %add3A_152 : i32
    %run_scoped3A_154 = arith.constant 1 : i32
    "tpu.region"() ({
      %run_scoped3A_209 = tpu.sem_alloc : memref<!tpu.dma_semaphore, #tpu.memory_space<semaphore_mem>>
      %dma_start3A_210 = arith.constant 0 : i32
      %dma_start3A_211 = arith.constant 0 : i32
      %dma_start3A_212 = tpu.memref_slice %arg6[%run_scoped3A_154, %dma_start3A_210, %dma_start3A_211] : memref<3x256x128xf32, #tpu.memory_space<vmem>> -> memref<1x256x128xf32, #tpu.memory_space<vmem>>
      %dma_start3A_213 = tpu.memref_squeeze %dma_start3A_212 : memref<1x256x128xf32, #tpu.memory_space<vmem>> -> memref<256x128xf32, #tpu.memory_space<vmem>>
      %dma_start3A_214 = arith.constant 0 : i32
      %dma_start3A_215 = tpu.memref_slice %arg4[%add3A_153, %dma_start3A_214] : memref<819200x128xf32, #tpu.memory_space<hbm>> -> memref<256x128xf32, #tpu.memory_space<hbm>>
      %dma_start3A_216 = arith.constant 0 : i32
      %dma_start3A_217 = tpu.memref_slice %arg4[%add3A_153, %dma_start3A_216] : memref<819200x128xf32, #tpu.memory_space<hbm>> -> memref<256x128xf32, #tpu.memory_space<hbm>>
      %dma_start3A_218 = arith.constant 0 : i32
      %dma_start3A_219 = arith.constant 0 : i32
      %dma_start3A_220 = tpu.memref_slice %arg6[%run_scoped3A_154, %dma_start3A_218, %dma_start3A_219] : memref<3x256x128xf32, #tpu.memory_space<vmem>> -> memref<1x256x128xf32, #tpu.memory_space<vmem>>
      %dma_start3A_221 = tpu.memref_squeeze %dma_start3A_220 : memref<1x256x128xf32, #tpu.memory_space<vmem>> -> memref<256x128xf32, #tpu.memory_space<vmem>>
      tpu.enqueue_dma source(%dma_start3A_221 : memref<256x128xf32, #tpu.memory_space<vmem>>) target(%dma_start3A_217 : memref<256x128xf32, #tpu.memory_space<hbm>>) target_semaphore(%run_scoped3A_209 : memref<!tpu.dma_semaphore, #tpu.memory_space<semaphore_mem>>)
      %dma_wait3A_222 = arith.constant 0 : i32
      %dma_wait3A_223 = arith.constant 0 : i32
      %dma_wait3A_224 = tpu.memref_slice %arg6[%run_scoped3A_154, %dma_wait3A_222, %dma_wait3A_223] : memref<3x256x128xf32, #tpu.memory_space<vmem>> -> memref<1x256x128xf32, #tpu.memory_space<vmem>>
      %dma_wait3A_225 = tpu.memref_squeeze %dma_wait3A_224 : memref<1x256x128xf32, #tpu.memory_space<vmem>> -> memref<256x128xf32, #tpu.memory_space<vmem>>
      %dma_wait3A_226 = arith.constant 0 : i32
      %dma_wait3A_227 = tpu.memref_slice %arg4[%add3A_153, %dma_wait3A_226] : memref<819200x128xf32, #tpu.memory_space<hbm>> -> memref<256x128xf32, #tpu.memory_space<hbm>>
      %dma_wait3A_228 = arith.constant 0 : i32
      %dma_wait3A_229 = tpu.memref_slice %arg4[%add3A_153, %dma_wait3A_228] : memref<819200x128xf32, #tpu.memory_space<hbm>> -> memref<256x128xf32, #tpu.memory_space<hbm>>
      %dma_wait3A_230 = arith.constant 0 : i32
      %dma_wait3A_231 = arith.constant 0 : i32
      %dma_wait3A_232 = tpu.memref_slice %arg6[%run_scoped3A_154, %dma_wait3A_230, %dma_wait3A_231] : memref<3x256x128xf32, #tpu.memory_space<vmem>> -> memref<1x256x128xf32, #tpu.memory_space<vmem>>
      %dma_wait3A_233 = tpu.memref_squeeze %dma_wait3A_232 : memref<1x256x128xf32, #tpu.memory_space<vmem>> -> memref<256x128xf32, #tpu.memory_space<vmem>>
      tpu.wait_dma2 semaphore(%run_scoped3A_209 : memref<!tpu.dma_semaphore, #tpu.memory_space<semaphore_mem>>) src(%dma_wait3A_233 : memref<256x128xf32, #tpu.memory_space<vmem>>) dst(%dma_wait3A_229 : memref<256x128xf32, #tpu.memory_space<hbm>>)
      tpu.yield
    }) : () -> ()
    %dma_wait3A_155 = arith.constant 0 : i32
    %dma_wait3A_156 = arith.constant 2 : i32
    %dma_wait3A_157 = arith.constant 0 : i32
    %dma_wait3A_158 = arith.constant 0 : i32
    %dma_wait3A_159 = tpu.memref_slice %arg6[%dma_wait3A_156, %dma_wait3A_157, %dma_wait3A_158] : memref<3x256x128xf32, #tpu.memory_space<vmem>> -> memref<1x128x128xf32, #tpu.memory_space<vmem>>
    %dma_wait3A_160 = tpu.memref_squeeze %dma_wait3A_159 : memref<1x128x128xf32, #tpu.memory_space<vmem>> -> memref<128x128xf32, #tpu.memory_space<vmem>>
    %dma_wait3A_161 = arith.constant 0 : i32
    %dma_wait3A_162 = tpu.memref_slice %arg5[%dma_wait3A_155, %dma_wait3A_161] : memref<200x128xi32, #tpu.memory_space<vmem>> -> memref<1x128xi32, #tpu.memory_space<vmem>>
    %dma_wait3A_163 = tpu.memref_squeeze %dma_wait3A_162 : memref<1x128xi32, #tpu.memory_space<vmem>> -> memref<128xi32, #tpu.memory_space<vmem>>
    %dma_wait3A_164 = arith.constant 0 : i32
    %dma_wait3A_165 = arith.constant 0 : i32
    %dma_wait3A_166 = tpu.memref_slice %arg2[%dma_wait3A_164, %dma_wait3A_165] : memref<100001x128xf32, #tpu.memory_space<hbm>> -> memref<100001x128xf32, #tpu.memory_space<hbm>>
    tpu.wait_indirect_dma semaphore(%arg9 : memref<!tpu.dma_semaphore, #tpu.memory_space<semaphore_mem>>) src(%dma_wait3A_166 : memref<100001x128xf32, #tpu.memory_space<hbm>>) dst(%dma_wait3A_160 : memref<128x128xf32, #tpu.memory_space<vmem>>)
    %dma_wait3A_167 = arith.constant 0 : i32
    %dma_wait3A_168 = arith.constant 2 : i32
    %dma_wait3A_169 = arith.constant 128 : i32
    %dma_wait3A_170 = arith.constant 0 : i32
    %dma_wait3A_171 = tpu.memref_slice %arg6[%dma_wait3A_168, %dma_wait3A_169, %dma_wait3A_170] : memref<3x256x128xf32, #tpu.memory_space<vmem>> -> memref<1x128x128xf32, #tpu.memory_space<vmem>>
    %dma_wait3A_172 = tpu.memref_squeeze %dma_wait3A_171 : memref<1x128x128xf32, #tpu.memory_space<vmem>> -> memref<128x128xf32, #tpu.memory_space<vmem>>
    %dma_wait3A_173 = arith.constant 0 : i32
    %dma_wait3A_174 = tpu.memref_slice %arg5[%dma_wait3A_167, %dma_wait3A_173] : memref<200x128xi32, #tpu.memory_space<vmem>> -> memref<1x128xi32, #tpu.memory_space<vmem>>
    %dma_wait3A_175 = tpu.memref_squeeze %dma_wait3A_174 : memref<1x128xi32, #tpu.memory_space<vmem>> -> memref<128xi32, #tpu.memory_space<vmem>>
    %dma_wait3A_176 = arith.constant 0 : i32
    %dma_wait3A_177 = arith.constant 0 : i32
    %dma_wait3A_178 = tpu.memref_slice %arg2[%dma_wait3A_176, %dma_wait3A_177] : memref<100001x128xf32, #tpu.memory_space<hbm>> -> memref<100001x128xf32, #tpu.memory_space<hbm>>
    tpu.wait_indirect_dma semaphore(%arg9 : memref<!tpu.dma_semaphore, #tpu.memory_space<semaphore_mem>>) src(%dma_wait3A_178 : memref<100001x128xf32, #tpu.memory_space<hbm>>) dst(%dma_wait3A_172 : memref<128x128xf32, #tpu.memory_space<vmem>>)
    %add3A_179 = arith.constant 25088 : i32
    %add3A_180 = arith.addi %mul3A_2, %add3A_179 : i32
    %run_scoped3A_181 = arith.constant 2 : i32
    "tpu.region"() ({
      %run_scoped3A_209 = tpu.sem_alloc : memref<!tpu.dma_semaphore, #tpu.memory_space<semaphore_mem>>
      %dma_start3A_210 = arith.constant 0 : i32
      %dma_start3A_211 = arith.constant 0 : i32
      %dma_start3A_212 = tpu.memref_slice %arg6[%run_scoped3A_181, %dma_start3A_210, %dma_start3A_211] : memref<3x256x128xf32, #tpu.memory_space<vmem>> -> memref<1x256x128xf32, #tpu.memory_space<vmem>>
      %dma_start3A_213 = tpu.memref_squeeze %dma_start3A_212 : memref<1x256x128xf32, #tpu.memory_space<vmem>> -> memref<256x128xf32, #tpu.memory_space<vmem>>
      %dma_start3A_214 = arith.constant 0 : i32
      %dma_start3A_215 = tpu.memref_slice %arg4[%add3A_180, %dma_start3A_214] : memref<819200x128xf32, #tpu.memory_space<hbm>> -> memref<256x128xf32, #tpu.memory_space<hbm>>
      %dma_start3A_216 = arith.constant 0 : i32
      %dma_start3A_217 = tpu.memref_slice %arg4[%add3A_180, %dma_start3A_216] : memref<819200x128xf32, #tpu.memory_space<hbm>> -> memref<256x128xf32, #tpu.memory_space<hbm>>
      %dma_start3A_218 = arith.constant 0 : i32
      %dma_start3A_219 = arith.constant 0 : i32
      %dma_start3A_220 = tpu.memref_slice %arg6[%run_scoped3A_181, %dma_start3A_218, %dma_start3A_219] : memref<3x256x128xf32, #tpu.memory_space<vmem>> -> memref<1x256x128xf32, #tpu.memory_space<vmem>>
      %dma_start3A_221 = tpu.memref_squeeze %dma_start3A_220 : memref<1x256x128xf32, #tpu.memory_space<vmem>> -> memref<256x128xf32, #tpu.memory_space<vmem>>
      tpu.enqueue_dma source(%dma_start3A_221 : memref<256x128xf32, #tpu.memory_space<vmem>>) target(%dma_start3A_217 : memref<256x128xf32, #tpu.memory_space<hbm>>) target_semaphore(%run_scoped3A_209 : memref<!tpu.dma_semaphore, #tpu.memory_space<semaphore_mem>>)
      %dma_wait3A_222 = arith.constant 0 : i32
      %dma_wait3A_223 = arith.constant 0 : i32
      %dma_wait3A_224 = tpu.memref_slice %arg6[%run_scoped3A_181, %dma_wait3A_222, %dma_wait3A_223] : memref<3x256x128xf32, #tpu.memory_space<vmem>> -> memref<1x256x128xf32, #tpu.memory_space<vmem>>
      %dma_wait3A_225 = tpu.memref_squeeze %dma_wait3A_224 : memref<1x256x128xf32, #tpu.memory_space<vmem>> -> memref<256x128xf32, #tpu.memory_space<vmem>>
      %dma_wait3A_226 = arith.constant 0 : i32
      %dma_wait3A_227 = tpu.memref_slice %arg4[%add3A_180, %dma_wait3A_226] : memref<819200x128xf32, #tpu.memory_space<hbm>> -> memref<256x128xf32, #tpu.memory_space<hbm>>
      %dma_wait3A_228 = arith.constant 0 : i32
      %dma_wait3A_229 = tpu.memref_slice %arg4[%add3A_180, %dma_wait3A_228] : memref<819200x128xf32, #tpu.memory_space<hbm>> -> memref<256x128xf32, #tpu.memory_space<hbm>>
      %dma_wait3A_230 = arith.constant 0 : i32
      %dma_wait3A_231 = arith.constant 0 : i32
      %dma_wait3A_232 = tpu.memref_slice %arg6[%run_scoped3A_181, %dma_wait3A_230, %dma_wait3A_231] : memref<3x256x128xf32, #tpu.memory_space<vmem>> -> memref<1x256x128xf32, #tpu.memory_space<vmem>>
      %dma_wait3A_233 = tpu.memref_squeeze %dma_wait3A_232 : memref<1x256x128xf32, #tpu.memory_space<vmem>> -> memref<256x128xf32, #tpu.memory_space<vmem>>
      tpu.wait_dma2 semaphore(%run_scoped3A_209 : memref<!tpu.dma_semaphore, #tpu.memory_space<semaphore_mem>>) src(%dma_wait3A_233 : memref<256x128xf32, #tpu.memory_space<vmem>>) dst(%dma_wait3A_229 : memref<256x128xf32, #tpu.memory_space<hbm>>)
      tpu.yield
    }) : () -> ()
    %dma_wait3A_182 = arith.constant 0 : i32
    %dma_wait3A_183 = arith.constant 0 : i32
    %dma_wait3A_184 = arith.constant 0 : i32
    %dma_wait3A_185 = arith.constant 0 : i32
    %dma_wait3A_186 = tpu.memref_slice %arg6[%dma_wait3A_183, %dma_wait3A_184, %dma_wait3A_185] : memref<3x256x128xf32, #tpu.memory_space<vmem>> -> memref<1x128x128xf32, #tpu.memory_space<vmem>>
    %dma_wait3A_187 = tpu.memref_squeeze %dma_wait3A_186 : memref<1x128x128xf32, #tpu.memory_space<vmem>> -> memref<128x128xf32, #tpu.memory_space<vmem>>
    %dma_wait3A_188 = arith.constant 0 : i32
    %dma_wait3A_189 = tpu.memref_slice %arg5[%dma_wait3A_182, %dma_wait3A_188] : memref<200x128xi32, #tpu.memory_space<vmem>> -> memref<1x128xi32, #tpu.memory_space<vmem>>
    %dma_wait3A_190 = tpu.memref_squeeze %dma_wait3A_189 : memref<1x128xi32, #tpu.memory_space<vmem>> -> memref<128xi32, #tpu.memory_space<vmem>>
    %dma_wait3A_191 = arith.constant 0 : i32
    %dma_wait3A_192 = arith.constant 0 : i32
    %dma_wait3A_193 = tpu.memref_slice %arg2[%dma_wait3A_191, %dma_wait3A_192] : memref<100001x128xf32, #tpu.memory_space<hbm>> -> memref<100001x128xf32, #tpu.memory_space<hbm>>
    tpu.wait_indirect_dma semaphore(%arg7 : memref<!tpu.dma_semaphore, #tpu.memory_space<semaphore_mem>>) src(%dma_wait3A_193 : memref<100001x128xf32, #tpu.memory_space<hbm>>) dst(%dma_wait3A_187 : memref<128x128xf32, #tpu.memory_space<vmem>>)
    %dma_wait3A_194 = arith.constant 0 : i32
    %dma_wait3A_195 = arith.constant 0 : i32
    %dma_wait3A_196 = arith.constant 128 : i32
    %dma_wait3A_197 = arith.constant 0 : i32
    %dma_wait3A_198 = tpu.memref_slice %arg6[%dma_wait3A_195, %dma_wait3A_196, %dma_wait3A_197] : memref<3x256x128xf32, #tpu.memory_space<vmem>> -> memref<1x128x128xf32, #tpu.memory_space<vmem>>
    %dma_wait3A_199 = tpu.memref_squeeze %dma_wait3A_198 : memref<1x128x128xf32, #tpu.memory_space<vmem>> -> memref<128x128xf32, #tpu.memory_space<vmem>>
    %dma_wait3A_200 = arith.constant 0 : i32
    %dma_wait3A_201 = tpu.memref_slice %arg5[%dma_wait3A_194, %dma_wait3A_200] : memref<200x128xi32, #tpu.memory_space<vmem>> -> memref<1x128xi32, #tpu.memory_space<vmem>>
    %dma_wait3A_202 = tpu.memref_squeeze %dma_wait3A_201 : memref<1x128xi32, #tpu.memory_space<vmem>> -> memref<128xi32, #tpu.memory_space<vmem>>
    %dma_wait3A_203 = arith.constant 0 : i32
    %dma_wait3A_204 = arith.constant 0 : i32
    %dma_wait3A_205 = tpu.memref_slice %arg2[%dma_wait3A_203, %dma_wait3A_204] : memref<100001x128xf32, #tpu.memory_space<hbm>> -> memref<100001x128xf32, #tpu.memory_space<hbm>>
    tpu.wait_indirect_dma semaphore(%arg7 : memref<!tpu.dma_semaphore, #tpu.memory_space<semaphore_mem>>) src(%dma_wait3A_205 : memref<100001x128xf32, #tpu.memory_space<hbm>>) dst(%dma_wait3A_199 : memref<128x128xf32, #tpu.memory_space<vmem>>)
    %add3A_206 = arith.constant 25344 : i32
    %add3A_207 = arith.addi %mul3A_2, %add3A_206 : i32
    %run_scoped3A_208 = arith.constant 0 : i32
    "tpu.region"() ({
      %run_scoped3A_209 = tpu.sem_alloc : memref<!tpu.dma_semaphore, #tpu.memory_space<semaphore_mem>>
      %dma_start3A_210 = arith.constant 0 : i32
      %dma_start3A_211 = arith.constant 0 : i32
      %dma_start3A_212 = tpu.memref_slice %arg6[%run_scoped3A_208, %dma_start3A_210, %dma_start3A_211] : memref<3x256x128xf32, #tpu.memory_space<vmem>> -> memref<1x256x128xf32, #tpu.memory_space<vmem>>
      %dma_start3A_213 = tpu.memref_squeeze %dma_start3A_212 : memref<1x256x128xf32, #tpu.memory_space<vmem>> -> memref<256x128xf32, #tpu.memory_space<vmem>>
      %dma_start3A_214 = arith.constant 0 : i32
      %dma_start3A_215 = tpu.memref_slice %arg4[%add3A_207, %dma_start3A_214] : memref<819200x128xf32, #tpu.memory_space<hbm>> -> memref<256x128xf32, #tpu.memory_space<hbm>>
      %dma_start3A_216 = arith.constant 0 : i32
      %dma_start3A_217 = tpu.memref_slice %arg4[%add3A_207, %dma_start3A_216] : memref<819200x128xf32, #tpu.memory_space<hbm>> -> memref<256x128xf32, #tpu.memory_space<hbm>>
      %dma_start3A_218 = arith.constant 0 : i32
      %dma_start3A_219 = arith.constant 0 : i32
      %dma_start3A_220 = tpu.memref_slice %arg6[%run_scoped3A_208, %dma_start3A_218, %dma_start3A_219] : memref<3x256x128xf32, #tpu.memory_space<vmem>> -> memref<1x256x128xf32, #tpu.memory_space<vmem>>
      %dma_start3A_221 = tpu.memref_squeeze %dma_start3A_220 : memref<1x256x128xf32, #tpu.memory_space<vmem>> -> memref<256x128xf32, #tpu.memory_space<vmem>>
      tpu.enqueue_dma source(%dma_start3A_221 : memref<256x128xf32, #tpu.memory_space<vmem>>) target(%dma_start3A_217 : memref<256x128xf32, #tpu.memory_space<hbm>>) target_semaphore(%run_scoped3A_209 : memref<!tpu.dma_semaphore, #tpu.memory_space<semaphore_mem>>)
      %dma_wait3A_222 = arith.constant 0 : i32
      %dma_wait3A_223 = arith.constant 0 : i32
      %dma_wait3A_224 = tpu.memref_slice %arg6[%run_scoped3A_208, %dma_wait3A_222, %dma_wait3A_223] : memref<3x256x128xf32, #tpu.memory_space<vmem>> -> memref<1x256x128xf32, #tpu.memory_space<vmem>>
      %dma_wait3A_225 = tpu.memref_squeeze %dma_wait3A_224 : memref<1x256x128xf32, #tpu.memory_space<vmem>> -> memref<256x128xf32, #tpu.memory_space<vmem>>
      %dma_wait3A_226 = arith.constant 0 : i32
      %dma_wait3A_227 = tpu.memref_slice %arg4[%add3A_207, %dma_wait3A_226] : memref<819200x128xf32, #tpu.memory_space<hbm>> -> memref<256x128xf32, #tpu.memory_space<hbm>>
      %dma_wait3A_228 = arith.constant 0 : i32
      %dma_wait3A_229 = tpu.memref_slice %arg4[%add3A_207, %dma_wait3A_228] : memref<819200x128xf32, #tpu.memory_space<hbm>> -> memref<256x128xf32, #tpu.memory_space<hbm>>
      %dma_wait3A_230 = arith.constant 0 : i32
      %dma_wait3A_231 = arith.constant 0 : i32
      %dma_wait3A_232 = tpu.memref_slice %arg6[%run_scoped3A_208, %dma_wait3A_230, %dma_wait3A_231] : memref<3x256x128xf32, #tpu.memory_space<vmem>> -> memref<1x256x128xf32, #tpu.memory_space<vmem>>
      %dma_wait3A_233 = tpu.memref_squeeze %dma_wait3A_232 : memref<1x256x128xf32, #tpu.memory_space<vmem>> -> memref<256x128xf32, #tpu.memory_space<vmem>>
      tpu.wait_dma2 semaphore(%run_scoped3A_209 : memref<!tpu.dma_semaphore, #tpu.memory_space<semaphore_mem>>) src(%dma_wait3A_233 : memref<256x128xf32, #tpu.memory_space<vmem>>) dst(%dma_wait3A_229 : memref<256x128xf32, #tpu.memory_space<hbm>>)
      tpu.yield
    }) : () -> ()
    return
  }
}

module attributes {stable_mosaic.version = 14 : i64} {
  func.func @_transform_body(%arg0: i32, %arg1: memref<64x8192xf32, #tpu.memory_space<vmem>>, %arg2: memref<64x128xf32, #tpu.memory_space<vmem>>, %arg3: memref<1x128xf32, #tpu.memory_space<vmem>>, %arg4: memref<8192x128xf32, #tpu.memory_space<vmem>>) attributes {dimension_semantics = [#tpu.dimension_semantics<arbitrary>], iteration_bounds = array<i64: 13>, scalar_prefetch = 0 : i64, scratch_operands = 0 : i64, tpu.core_type = #tpu.core_type<tc>, window_params = [{transform_indices = @transform_0, window_bounds = array<i64: 64, 8192>}, {pipeline_mode = #tpu.pipeline_mode<synchronous>, transform_indices = @transform_1, window_bounds = array<i64: 64, 128>}, {pipeline_mode = #tpu.pipeline_mode<synchronous>, transform_indices = @transform_2, window_bounds = array<i64: 1, 128>}, {transform_indices = @transform_3, window_bounds = array<i64: 8192, 128>}]} {
    %get3A = arith.constant 0 : index
    %get3A_0 = arith.constant 0 : index
    %get3A_1 = vector.load %arg1[%get3A, %get3A_0] : memref<64x8192xf32, #tpu.memory_space<vmem>>, vector<64x8192xf32>
    %get3A_2 = arith.constant 0 : index
    %get3A_3 = arith.constant 0 : index
    %get3A_4 = vector.load %arg2[%get3A_2, %get3A_3] : memref<64x128xf32, #tpu.memory_space<vmem>>, vector<64x128xf32>
    %dot_general3A = arith.constant dense<0.000000e+00> : vector<8192x128xf32>
    %dot_general3A_5 = tpu.matmul %get3A_1, %get3A_4, %dot_general3A {dimension_numbers = #tpu.dot_dimension_numbers<[0], [0], [1], [1], [0, 1, 1, 1], [], []>, precision = #tpu.contract_precision<fp32>, transpose_lhs_hint = false} : vector<64x8192xf32>, vector<64x128xf32>, vector<8192x128xf32> -> vector<8192x128xf32>
    %get3A_6 = arith.constant 0 : index
    %get3A_7 = arith.constant 0 : index
    %get3A_8 = vector.load %arg3[%get3A_6, %get3A_7] : memref<1x128xf32, #tpu.memory_space<vmem>>, vector<1x128xf32>
    %add3A = vector.broadcast %get3A_8 : vector<1x128xf32> to vector<8192x128xf32>
    %add3A_9 = arith.addf %dot_general3A_5, %add3A : vector<8192x128xf32>
    %swap3A = arith.constant 0 : index
    %swap3A_10 = arith.constant 0 : index
    %swap3A_11 = vector.load %arg4[%swap3A, %swap3A_10] : memref<8192x128xf32, #tpu.memory_space<vmem>>, vector<8192x128xf32>
    tpu.vector_store %arg4[%swap3A, %swap3A_10], %add3A_9 {strides = array<i32>} : memref<8192x128xf32, #tpu.memory_space<vmem>>, vector<8192x128xf32>,
    return
  }
  func.func @transform_0(%arg0: i32) -> (i32, i32) {
    %c0_i32 = arith.constant 0 : i32
    %c0_i32_0 = arith.constant 0 : i32
    return %c0_i32, %arg0 : i32, i32
  }
  func.func @transform_1(%arg0: i32) -> (i32, i32) {
    %c0_i32 = arith.constant 0 : i32
    %c0_i32_0 = arith.constant 0 : i32
    %c0_i32_1 = arith.constant 0 : i32
    return %c0_i32, %c0_i32_0 : i32, i32
  }
  func.func @transform_2(%arg0: i32) -> (i32, i32) {
    %c0_i32 = arith.constant 0 : i32
    %c0_i32_0 = arith.constant 0 : i32
    %c0_i32_1 = arith.constant 0 : i32
    return %c0_i32, %c0_i32_0 : i32, i32
  }
  func.func @transform_3(%arg0: i32) -> (i32, i32) {
    %c0_i32 = arith.constant 0 : i32
    %c0_i32_0 = arith.constant 0 : i32
    return %arg0, %c0_i32 : i32, i32
  }
}

</mosaic_0001>

<sc_bundles>
// kernel: kernel.4.cloned.1.call-start
scs
__scs_entry_jumppad:
0x0: {  	(pc) =	sbr.rel $0x88, $3  }
0x1: {  	(tag) =	ssettag $0x0;
	lr =	simm.s32 $0x1  }
0x2: {  	[smem:$0x3F9D] =	sst lr;
	_ =	strace $0xD0000000  }
0x3: {  	_ = 	snop  }
0x4: {  	_ = 	snop  }
0x5: {  	_ = 	snop  }
0x6: {  	_ = 	snop  }
0x7: {  	_ = 	snop  }
__scs_overlays_trampoline_lowered:
0x8: {  	[smem:$0x3FAC] =	sst s0  }
0x9: {  	[smem:$0x3FAD] =	sst s1  }
0xa: {  	[smem:$0x3FAE] =	sst s2  }
0xb: {  	[smem:$0x3FAF] =	sst s3  }
0xc: {  	[smem:$0x3FB0] =	sst s4  }
0xd: {  	[smem:$0x3FB1] =	sst s5  }
0xe: {  	[smem:$0x3FB2] =	sst s6  }
0xf: {  	[smem:$0x3FB3] =	sst s7  }
0x10: {  	[smem:$0x3FB4] =	sst s8  }
0x11: {  	[smem:$0x3FB5] =	sst s9;
	s0 =	simm.s32 @!p0 $0x0  }
0x12: {  	s1 =	sld [smem:$0x3F9B];
	s0 =	simm.s32 @p0 $0x1  }
0x13: {  	[smem:$0x3FB6] =	sst s0;
	s0 =	simm.s32 @!p1 $0x0  }
0x14: {  	s2 =	sld [smem:$0x3F9A];
	s0 =	simm.s32 @p1 $0x1  }
0x15: {  	[smem:$0x3FB7] =	sst s0;
	s0 =	simm.s32 @!p2 $0x0  }
0x16: {  	s3 =	sld [smem:$0x3FDB];
	s0 =	simm.s32 @p2 $0x1  }
0x17: {  	s4 =	simm.s32 $0x1BF5;
	[smem:$0x3FB9] =	sst s0  }
0x18: {  	s0 =	sld [smem:$0x3F9C];
	_ =	swait.ge [sflag:s4], $0x0  }
0x19: {  	s7 =	sld [smem:$0x3F9D]  }
0x1a: {  	s8 =	sadd.s32 $0xFFFFE003, lr  }
0x1b: {  	s9 =	sadd.s32 $0xFFFFFEF7, lr;
	s5 =	simm.s32 $0xFFFFFFFF;
	p2 =	slt.u32 s8, $0xFFFFF086  }
0x1c: {  	p1 =	slt.u32 s9, $0xF7A;
	s5 =	simm.s32 @!p2 $0x0  }
0x1d: {  	s5 =	simm.s32 @p1 $0x1;
	p0 =	seq.s32 s7, s2  }
0x1e: {  	s7 =	smul.u32 @!p0 $0xF7A, s2;
	p2 =	seq.s32 @!p0 s5, $0x0  }
0x1f: {  	s9 =	smul.u32 $0xF7A, s1;
	s8 =	simm.s32 @!p0 $0x1BF5;
	p2 =	por !p2, p0  }
0x20: {  	[sflag:s8] =	ssyncset.s32 @!p0 $0xFFFFF086;
	s6 =	sadd.s32 @!p0 s3, s7;
	s7 =	simm.s32 @!p0 $0x108  }
0x21: {  	s3 =	sadd.s32 s3, s9;
	s6 =	sadd.s32 @!p0 $0x88, s6;
	s7 =	simm.s32 @p2 $0x1082  }
0x22: {  	[simem:s7], [sflag:s8] =	dma.local @!p0 [hbm:s6], $0xF7A  }
0x23: {  	s9 =	sor.u32 $0xD0000000, s2;
	s6 =	simm.s32 $0x108;
	_ =	swait.ge @!p0 [sflag:s8], $0x0  }
0x24: {  	s3 =	sadd.s32 $0x88, s3;
	s6 =	simm.s32 @!p1 $0x1082;
	[sflag:s4] =	ssyncset.s32 $0xFFFFF086  }
0x25: {  	[simem:s6], [sflag:s4] =	dma.local [hbm:s3], $0xF7A  }
0x26: {  	[smem:$0x3F9D] =	sst s1;
	(tag) =	ssettag s2;
	_ =	strace s9  }
0x27: {  	s1 =	sld [smem:$0x3FAD]  }
0x28: {  	s2 =	sld [smem:$0x3FAE]  }
0x29: {  	s4 =	sld [smem:$0x3FB0]  }
0x2a: {  	p0 =	seq.s32 s5, $0x0;
	s5 =	sld [smem:$0x3FB1]  }
0x2b: {  	s6 =	sld [smem:$0x3FB2]  }
0x2c: {  	s7 =	sld [smem:$0x3FB3]  }
0x2d: {  	s3 =	simm.s32 $0x108;
	s8 =	sld [smem:$0x3FB4]  }
0x2e: {  	s3 =	simm.s32 @!p0 $0x1082;
	s9 =	sld [smem:$0x3FB5]  }
0x2f: {  	lr =	sadd.s32 s0, s3;
	s0 =	sld [smem:$0x3FAC]  }
0x30: {  	s3 =	sld [smem:$0x3FAF]  }
0x31: {  	[smem:$0x3FB8] =	sst s10  }
0x32: {  	s10 =	sld [smem:$0x3FB6];
	_ =	sdelay $0x3  }
0x33: {  	p0 =	seq.s32 s10, $0x1;
	s10 =	sld [smem:$0x3FB8];
	_ =	sdelay $0x3  }
0x34: {  	[smem:$0x3FB8] =	sst s10  }
0x35: {  	s10 =	sld [smem:$0x3FB7];
	_ =	sdelay $0x3  }
0x36: {  	p1 =	seq.s32 s10, $0x1;
	s10 =	sld [smem:$0x3FB8];
	_ =	sdelay $0x3  }
0x37: {  	[smem:$0x3FB8] =	sst s10  }
0x38: {  	s10 =	sld [smem:$0x3FB9]  }
0x39: {  	_ = 	snop;
	(pc) =	sbr.ind lr, $3  }
0x3a: {  	_ = 	snop  }
0x3b: {  	_ = 	snop  }
0x3c: {  	p2 =	seq.s32 s10, $0x1;
	s10 =	sld [smem:$0x3FB8]  }
0x3d: {  	_ =	shalt  }
0x3e: {  	_ =	shalt  }
0x3f: {  	_ =	shalt  }
0x40: {  	_ =	shalt  }
0x41: {  	_ =	shalt  }
0x42: {  	_ =	shalt  }
0x43: {  	_ =	shalt  }
0x44: {  	_ =	shalt  }
0x45: {  	_ =	shalt  }
0x46: {  	_ =	shalt  }
0x47: {  	_ =	shalt  }
0x48: {  	_ =	shalt  }
0x49: {  	_ =	shalt  }
0x4a: {  	_ =	shalt  }
0x4b: {  	_ =	shalt  }
0x4c: {  	_ =	shalt  }
0x4d: {  	_ =	shalt  }
0x4e: {  	_ =	shalt  }
0x4f: {  	_ =	shalt  }
0x50: {  	_ =	shalt  }
0x51: {  	_ =	shalt  }
0x52: {  	_ =	shalt  }
0x53: {  	_ =	shalt  }
0x54: {  	_ =	shalt  }
0x55: {  	_ =	shalt  }
0x56: {  	_ =	shalt  }
0x57: {  	_ =	shalt  }
0x58: {  	_ =	shalt  }
0x59: {  	_ =	shalt  }
0x5a: {  	_ =	shalt  }
0x5b: {  	_ =	shalt  }
0x5c: {  	_ =	shalt  }
0x5d: {  	_ =	shalt  }
0x5e: {  	_ =	shalt  }
0x5f: {  	_ =	shalt  }
0x60: {  	_ =	shalt  }
0x61: {  	_ =	shalt  }
0x62: {  	_ =	shalt  }
0x63: {  	_ =	shalt  }
0x64: {  	_ =	shalt  }
0x65: {  	_ =	shalt  }
0x66: {  	_ =	shalt  }
0x67: {  	_ =	shalt  }
0x68: {  	_ =	shalt  }
0x69: {  	_ =	shalt  }
0x6a: {  	_ =	shalt  }
0x6b: {  	_ =	shalt  }
0x6c: {  	_ =	shalt  }
0x6d: {  	_ =	shalt  }
0x6e: {  	_ =	shalt  }
0x6f: {  	_ =	shalt  }
0x70: {  	_ =	shalt  }
0x71: {  	_ =	shalt  }
0x72: {  	_ =	shalt  }
0x73: {  	_ =	shalt  }
0x74: {  	_ =	shalt  }
0x75: {  	_ =	shalt  }
0x76: {  	_ =	shalt  }
0x77: {  	_ =	shalt  }
0x78: {  	_ =	shalt  }
0x79: {  	_ =	shalt  }
0x7a: {  	_ =	shalt  }
0x7b: {  	_ =	shalt  }
0x7c: {  	_ =	shalt  }
0x7d: {  	_ =	shalt  }
0x7e: {  	_ =	shalt  }
0x7f: {  	_ =	shalt  }
0x80: {  	_ =	shalt  }
0x81: {  	_ =	shalt  }
0x82: {  	_ =	shalt  }
0x83: {  	_ =	shalt  }
0x84: {  	_ =	shalt  }
0x85: {  	_ =	shalt  }
0x86: {  	_ =	shalt  }
0x87: {  	_ =	shalt  }
.Lfunc_end0:
.L_simem_size_0:
called_computation.1_lowered:
.L_overlay_start_0:
0x88: {  	s2 =	sld [smem:$0x3FD9]  }
0x89: {  	s3 =	sld [smem:$0x3FFE];
	_ =	sdelay $0x1  }
0x8a: {  	s1 =	srdreg.scid  }
0x8b: {  	s0 =	sand.u32 $0x1, s1  }
0x8c: {  	s17 =	sshll.u32 s0, $0xA;
	s2 =	sadd.s32 s3, s2  }
0x8d: {  	s2 =	sadd.s32 s2, s17  }
0x8e: {  	[smem:$0x3FC4] =	sst s2  }
0x8f: {  	_ = 	snop  }
0x90: {  	s2 =	sld [smem:$0x3FD0];
	(tm) =	ssettm $0x1  }
0x91: {  	s18 =	sld [smem:$0x3FFB];
	_ =	sdelay $0x3  }
0x92: {  	_ =	strace s18  }
0x93: {  	s3 =	sld [smem:$0x3FFC];
	_ =	sdelay $0x3  }
0x94: {  	_ =	strace s3  }
0x95: {  	s3 =	sld [smem:$0x3FFD];
	_ =	sdelay $0x3  }
0x96: {  	_ =	strace s3  }
0x97: {  	_ =	strace $0x8FFFFFFF  }
0x98: {  	s19 =	sld [smem:$0x3FDB];
	_ =	sdelay $0x1  }
0x99: {  	s4 =	simm.s32 $_scs_section_size  }
0x9a: {  	s5 =	simm.s32 $_size__tile_overlayer_lowered;
	s6 =	simm.s32 $_tile_overlayer_lowered  }
0x9b: {  	s22 =	simm.s32 $0x1BFF;
	s21 =	sshll.u32 s6, $0x1;
	s3 =	sadd.s32 s4, s19  }
0x9c: {  	s7 =	simm.s32 $0x0;
	s20 =	sshll.u32 s5, $0x1;
	s5 =	sadd.s32 s21, s3  }
0x9d: {  	[timem:s7], [sflag:s22] =	dma.local [hbm:s5], s20  }
0x9e: {  	_ =	swait.ge [sflag:s22], s20  }
0x9f: {  	s4 =	ssub.s32 $0x0, s20;
	[sflag:s22] =	ssyncset.done $0x0  }
0xa0: {  	[sflag:s22] =	ssyncadd.s32 s4;
	_ =	sdelay $0x1  }
0xa1: {  	s23 =	simm.s32 $0x1B8B  }
0xa2: {  	_ =	swait.ge [sflag:s23], $0x1  }
0xa3: {  	[sflag:s23] =	ssyncset.done $0x0  }
0xa4: {  	s25 =	simm.s32 $0x1B8E;
	s24 =	sld [smem:$0x3FFE];
	[sflag:s23] =	ssyncadd.s32 $0xFFFFFFFF  }
0xa5: {  	s26 =	simm.s32 $execute0_lowered;
	[smem:$0x3FD2] =	sst s25  }
0xa6: {  	s5 =	sshll.u32 s26, $0x1;
	_ =	strace $0x80000046;
	[dreg:$0x1] =	wrdreg $0xFFFFFFFF  }
0xa7: {  	s28 =	simm.s32 $_size_execute0_lowered;
	s3 =	sadd.s32 s3, s5;
	[dreg:$0x0] =	wrdreg $0x0  }
0xa8: {  	s5 =	sshll.u32 s28, $0x1;
	[dreg:$0x2] =	wrdreg s3  }
0xa9: {  	[dreg:$0x3] =	wrdreg s5  }
0xaa: {  	[dreg:$0x4] =	wrdreg $0xC0  }
0xab: {  	_ =	task [dreg:s7], $0x5FFFF  }
0xac: {  	[dreg:$0x1] =	wrdreg $0xFFFFFFFF  }
0xad: {  	[dreg:$0x0] =	wrdreg $0x60  }
0xae: {  	[dreg:$0x2] =	wrdreg s2  }
0xaf: {  	[dreg:$0x3] =	wrdreg s24  }
0xb0: {  	[dreg:$0x4] =	wrdreg $0x9  }
0xb1: {  	_ =	task.clear_ibuf [dreg:s7], $0x5FFFF;
	_ =	strace $0x90000046  }
0xb2: {  	s29 =	simm.s32 $0x9;
	_ =	strace $0x80000048  }
0xb3: {  	_ =	swait.ge [sflag:s29], $0x1  }
0xb4: {  	[sflag:s29] =	ssyncadd.s32 $0xFFFFFFFF  }
0xb5: {  	_ =	strace $0x90000048  }
0xb6: {  	_ =	sfence  }
0xb7: {  	s30 =	sld [smem:$0x0];
	_ =	sdelay $0x2  }
0xb8: {  	s31 =	sshll.u32 s1, $0xD;
	s1 =	sshrl.u32 s1, $0x2  }
0xb9: {  	s3 =	sand.u32 $0x4000, s31;
	s1 =	sadd.s32 s1, s30  }
0xba: {  	s0 =	sor.u32 s3, s0;
	s1 =	sshll.u32 s1, $0x11  }
0xbb: {  	s0 =	sor.u32 s1, s0  }
0xbc: {  	s0 =	sadd.s32 $0x8F2B, s0  }
0xbd: {  	[sflag:s0] =	ssyncadd.remote.s32 $0x1  }
0xbe: {  	_ =	sfence.sel $0xFFFF  }
0xbf: {  	[dreg:$0x0] =	wrdreg $0xFFFFFFFF;
	(pc) =	sbr.abs _section_cstart, $3  }
0xc0: {  	[dreg:$0x1] =	wrdreg $0xFFFFFFFF  }
0xc1: {  	_ =	task.clear_ibuf [dreg:s7], $0x2FFFF;
	_ =	strace $0x9FFFFFFF  }
0xc2: {  	(tm) =	ssettm $0x7FFFFFFF  }
0xc3: {  	_ =	shalt  }
tec
execute0_lowered:
.L_overlay_start_1:
0x0: {  	(tag) =	ssettag $0x1  }
0x1: {  	s0 =	srdreg.scid  }
0x2: {  	s10 =	stileid.u32;
	s2 =	rddreg [dreg:$0x0]  }
0x3: {  	s4 =	rddreg [dreg:$0x1];
	s3 =	simm.s32 $0x0;
	s13 =	simm.s32 $0x80  }
0x4: {  	s14 =	simm.s32 $0x6400;
	s15 =	simm.s32 $0xA400;
	s17 =	simm.s32 $0xE400  }
0x5: {  	s19 =	simm.s32 $0x12400;
	s20 =	simm.s32 $0x16400;
	s21 =	simm.s32 $0x1A400  }
0x6: {  	s22 =	simm.s32 $0x1;
	s23 =	simm.s32 $0x2;
	s24 =	simm.s32 $0x3  }
0x7: {  	s28 =	simm.s32 $0x6300;
	s29 =	simm.s32 $0x6380;
	s7 =	smul.u32 $0x640000, s10  }
0x8: {  	s0 =	sand.u32 $0x1, s0;
	s1 =	sshll.u32 s10, $0x1;
	s10 =	smul.u32 $0xC8000, s10  }
0x9: {  	s30 =	simm.s32 $0x0;
	[smem:$0x7FF] =	sst s3;
	s8 =	smul.u32 $0x320000, s0  }
0xa: {  	s1 =	sor.u32 s0, s1;
	s26 =	ssub.s32 $0x2, s0;
	s0 =	smul.u32 $0x64000, s0  }
0xb: {  	s11 =	sadd.s32 $0x19400, s4;
	_ =	strace $0x80000047;
	s5 =	smul.u32 $0x6400, s1  }
0xc: {  	s1 =	smul.u32 $0x320000, s1;
	s6 =	sshrl.u32 s26, $0x1;
	s10 =	sadd.s32 s10, s11  }
0xd: {  	s9 =	ssub.s32 s26, s6;
	s8 =	sadd.s32 s8, s7;
	s0 =	sadd.s32 s0, s10  }
0xe: {  	s5 =	sshrl.u32 s5, $0x3;
	s1 =	sshrl.u32 s1, $0x3;
	s12 =	sor.u32 $0x10000, s8  }
0xf: {  	s9 =	smax.u32 s9, $0x1;
	s10 =	sadd.s32 $0x1000, s0;
	s5 =	sadd.s32 s5, s4  }
0x10: {  	s1 =	sadd.s32 s11, s1;
	s31 =	sshrl.u32 s12, $0x3;
	s12 =	simm.s32 $0x4  }
0x11: {  	s4 =	sadd.s32 $0x400, s5;
	s5 =	sadd.s32 $0x60000, s1;
	s6 =	sadd.s32 $0x61000, s1  }
0x12: {  	s7 =	sadd.s32 $0x62000, s1;
	s8 =	sadd.s32 $0x63000, s1;
	s11 =	sadd.s32 s31, s11  }
.LBB2_1:
0x13: {  	[tilespmem:s3], [sflag:$0x4] =	stream.linear.gather [hbm4b:s4+s3], $0x6400, $0x38;
	[tilespmem:$0x1E400] =	vst v63  }
0x14: {  	_ =	swait.ge [sflag:s12], $0x6400  }
0x15: {  	[sflag:s12] =	ssyncset.done $0x0  }
0x16: {  	[sflag:s12] =	ssyncadd.s32 $0xFFFF9C00  }
0x17: {  	[tilespmem:s14], [sflag:$0x1] =	stream.indirect.gather [hbm4b:s2+s13], $0x80, s3, s13, $0xb8;
	[tilespmem:$0x1E400] =	vst v63  }
0x18: {  	_ = 	snop  }
0x19: {  	[tilespmem:s15], [sflag:$0x1] =	stream.indirect.gather [hbm4b:s2+s13], $0x80, s13, s13, $0xb8;
	[tilespmem:$0x1E400] =	vst v63  }
0x1a: {  	s0 =	simm.s32 $0x100  }
0x1b: {  	[tilespmem:s17], [sflag:$0x2] =	stream.indirect.gather [hbm4b:s2+s13], $0x80, s0, s13, $0xb8;
	[tilespmem:$0x1E400] =	vst v63  }
0x1c: {  	s18 =	simm.s32 $0x180  }
0x1d: {  	[tilespmem:s19], [sflag:$0x2] =	stream.indirect.gather [hbm4b:s2+s13], $0x80, s18, s13, $0xb8;
	[tilespmem:$0x1E400] =	vst v63  }
0x1e: {  	s25 =	simm.s32 $0x200  }
0x1f: {  	[tilespmem:s20], [sflag:$0x3] =	stream.indirect.gather [hbm4b:s2+s13], $0x80, s25, s13, $0xb8;
	[tilespmem:$0x1E400] =	vst v63  }
0x20: {  	s26 =	simm.s32 $0x280  }
0x21: {  	[tilespmem:s21], [sflag:$0x3] =	stream.indirect.gather [hbm4b:s2+s13], $0x80, s26, s13, $0xb8;
	[tilespmem:$0x1E400] =	vst v63  }
0x22: {  	_ =	swait.ge [sflag:s22], $0x4000  }
0x23: {  	[sflag:s22] =	ssyncset.done $0x0  }
0x24: {  	[sflag:s22] =	ssyncadd.s32 $0xFFFFC000  }
0x25: {  	_ =	swait.ge [sflag:s22], $0x4000  }
0x26: {  	[sflag:s22] =	ssyncset.done $0x0  }
0x27: {  	s1 =	sadd.s32 $0xFFFFF000, s10;
	[sflag:s22] =	ssyncadd.s32 $0xFFFFC000  }
0x28: {  	[hbm4b:s1+s3] =	stream.linear.scatter [tilespmem:s14], [sflag:$0x4], $0x8000, $0x38;
	[tilespmem:$0x1E400] =	vst v63  }
0x29: {  	_ =	swait.ge [sflag:s12], $0x8000  }
0x2a: {  	[sflag:s12] =	ssyncset.done $0x0  }
0x2b: {  	s16 =	simm.s32 $0x300;
	[sflag:s12] =	ssyncadd.s32 $0xFFFF8000  }
0x2c: {  	[tilespmem:s14], [sflag:$0x1] =	stream.indirect.gather [hbm4b:s2+s13], $0x80, s16, s13, $0xb8;
	[tilespmem:$0x1E400] =	vst v63  }
0x2d: {  	s18 =	simm.s32 $0x380  }
0x2e: {  	[tilespmem:s15], [sflag:$0x1] =	stream.indirect.gather [hbm4b:s2+s13], $0x80, s18, s13, $0xb8;
	[tilespmem:$0x1E400] =	vst v63  }
0x2f: {  	_ =	swait.ge [sflag:s23], $0x4000  }
0x30: {  	[sflag:s23] =	ssyncset.done $0x0  }
0x31: {  	[sflag:s23] =	ssyncadd.s32 $0xFFFFC000  }
0x32: {  	_ =	swait.ge [sflag:s23], $0x4000  }
0x33: {  	[sflag:s23] =	ssyncset.done $0x0  }
0x34: {  	[sflag:s23] =	ssyncadd.s32 $0xFFFFC000  }
0x35: {  	[hbm4b:s10+s3] =	stream.linear.scatter [tilespmem:s17], [sflag:$0x4], $0x8000, $0x38;
	[tilespmem:$0x1E400] =	vst v63  }
0x36: {  	_ =	swait.ge [sflag:s12], $0x8000  }
0x37: {  	[sflag:s12] =	ssyncset.done $0x0  }
0x38: {  	s25 =	simm.s32 $0x400;
	[sflag:s12] =	ssyncadd.s32 $0xFFFF8000  }
0x39: {  	[tilespmem:s17], [sflag:$0x2] =	stream.indirect.gather [hbm4b:s2+s13], $0x80, s25, s13, $0xb8;
	[tilespmem:$0x1E400] =	vst v63  }
0x3a: {  	s26 =	simm.s32 $0x480  }
0x3b: {  	[tilespmem:s19], [sflag:$0x2] =	stream.indirect.gather [hbm4b:s2+s13], $0x80, s26, s13, $0xb8;
	[tilespmem:$0x1E400] =	vst v63  }
0x3c: {  	_ =	swait.ge [sflag:s24], $0x4000  }
0x3d: {  	[sflag:s24] =	ssyncset.done $0x0  }
0x3e: {  	[sflag:s24] =	ssyncadd.s32 $0xFFFFC000  }
0x3f: {  	_ =	swait.ge [sflag:s24], $0x4000  }
0x40: {  	[sflag:s24] =	ssyncset.done $0x0  }
0x41: {  	[sflag:s24] =	ssyncadd.s32 $0xFFFFC000  }
0x42: {  	[hbm4b:s11+s3] =	stream.linear.scatter [tilespmem:s20], [sflag:$0x4], $0x8000, $0x38;
	[tilespmem:$0x1E400] =	vst v63  }
0x43: {  	s31 =	sadd.s32 $0x3000, s11;
	s0 =	simm.s32 $0x300;
	_ =	swait.ge [sflag:s12], $0x8000  }
0x44: {  	s1 =	sadd.s32 $0x3000, s10;
	s16 =	simm.s32 $0x1800;
	[sflag:s12] =	ssyncset.done $0x0  }
.LBB2_2:
0x45: {  	s26 =	sadd.s32 $0x200, s0  }
0x46: {  	[sflag:s12] =	ssyncadd.s32 $0xFFFF8000;
	s18 =	smov.u32 s16;
	s25 =	sadd.s32 $0xC00, s16  }
0x47: {  	[tilespmem:s20], [sflag:$0x3] =	stream.indirect.gather [hbm4b:s2+s13], $0x80, s26, s13, $0xb8;
	[tilespmem:$0x1E400] =	vst v63  }
0x48: {  	p0 =	sne.s32 s16, $0x17400;
	s16 =	sadd.s32 $0x280, s0  }
0x49: {  	[tilespmem:s21], [sflag:$0x3] =	stream.indirect.gather [hbm4b:s2+s13], $0x80, s16, s13, $0xb8;
	[tilespmem:$0x1E400] =	vst v63  }
0x4a: {  	_ =	swait.ge [sflag:s22], $0x4000  }
0x4b: {  	[sflag:s22] =	ssyncset.done $0x0  }
0x4c: {  	[sflag:s22] =	ssyncadd.s32 $0xFFFFC000  }
0x4d: {  	_ =	swait.ge [sflag:s22], $0x4000  }
0x4e: {  	[sflag:s22] =	ssyncset.done $0x0  }
0x4f: {  	s16 =	sadd.s32 $0xFFFFF000, s1;
	[sflag:s22] =	ssyncadd.s32 $0xFFFFC000  }
0x50: {  	[hbm4b:s16+s3] =	stream.linear.scatter [tilespmem:s14], [sflag:$0x4], $0x8000, $0x38;
	[tilespmem:$0x1E400] =	vst v63  }
0x51: {  	_ =	swait.ge [sflag:s12], $0x8000  }
0x52: {  	[sflag:s12] =	ssyncset.done $0x0  }
0x53: {  	s16 =	sadd.s32 $0x300, s0;
	[sflag:s12] =	ssyncadd.s32 $0xFFFF8000  }
0x54: {  	[tilespmem:s14], [sflag:$0x1] =	stream.indirect.gather [hbm4b:s2+s13], $0x80, s16, s13, $0xb8;
	[tilespmem:$0x1E400] =	vst v63  }
0x55: {  	s16 =	sadd.s32 $0x380, s0  }
0x56: {  	[tilespmem:s15], [sflag:$0x1] =	stream.indirect.gather [hbm4b:s2+s13], $0x80, s16, s13, $0xb8;
	[tilespmem:$0x1E400] =	vst v63  }
0x57: {  	_ =	swait.ge [sflag:s23], $0x4000  }
0x58: {  	[sflag:s23] =	ssyncset.done $0x0  }
0x59: {  	[sflag:s23] =	ssyncadd.s32 $0xFFFFC000  }
0x5a: {  	_ =	swait.ge [sflag:s23], $0x4000  }
0x5b: {  	[sflag:s23] =	ssyncset.done $0x0  }
0x5c: {  	[sflag:s23] =	ssyncadd.s32 $0xFFFFC000  }
0x5d: {  	[hbm4b:s1+s3] =	stream.linear.scatter [tilespmem:s17], [sflag:$0x4], $0x8000, $0x38;
	[tilespmem:$0x1E400] =	vst v63  }
0x5e: {  	_ =	swait.ge [sflag:s12], $0x8000  }
0x5f: {  	[sflag:s12] =	ssyncset.done $0x0  }
0x60: {  	s16 =	sadd.s32 $0x400, s0;
	[sflag:s12] =	ssyncadd.s32 $0xFFFF8000  }
0x61: {  	[tilespmem:s17], [sflag:$0x2] =	stream.indirect.gather [hbm4b:s2+s13], $0x80, s16, s13, $0xb8;
	[tilespmem:$0x1E400] =	vst v63  }
0x62: {  	s0 =	sadd.s32 $0x480, s0  }
0x63: {  	[tilespmem:s19], [sflag:$0x2] =	stream.indirect.gather [hbm4b:s2+s13], $0x80, s0, s13, $0xb8;
	[tilespmem:$0x1E400] =	vst v63  }
0x64: {  	_ =	swait.ge [sflag:s24], $0x4000  }
0x65: {  	[sflag:s24] =	ssyncset.done $0x0  }
0x66: {  	[sflag:s24] =	ssyncadd.s32 $0xFFFFC000  }
0x67: {  	_ =	swait.ge [sflag:s24], $0x4000  }
.Ltmp0:
0x68: {  	[sflag:s24] =	ssyncset.done $0x0;
	(pc) =	sbr.rel @p0 .LBB2_2-.Ltmp0, $4  }
0x69: {  	[sflag:s24] =	ssyncadd.s32 $0xFFFFC000  }
0x6a: {  	[hbm4b:s31+s3] =	stream.linear.scatter [tilespmem:s20], [sflag:$0x4], $0x8000, $0x38;
	[tilespmem:$0x1E400] =	vst v63  }
0x6b: {  	s1 =	sadd.s32 $0x3000, s1;
	s31 =	sadd.s32 $0x3000, s31;
	_ =	swait.ge [sflag:s12], $0x8000  }
0x6c: {  	s16 =	smov.u32 s25;
	s0 =	sshra.s32 s18, $0x2;
	[sflag:s12] =	ssyncset.done $0x0  }
0x6d: {  	s16 =	sadd.s32 $0x200, s0;
	[sflag:s12] =	ssyncadd.s32 $0xFFFF8000  }
0x6e: {  	[tilespmem:s20], [sflag:$0x3] =	stream.indirect.gather [hbm4b:s2+s13], $0x80, s16, s13, $0xb8;
	[tilespmem:$0x1E400] =	vst v63  }
0x6f: {  	s26 =	sadd.s32 $0x280, s0  }
0x70: {  	[tilespmem:s21], [sflag:$0x3] =	stream.indirect.gather [hbm4b:s2+s13], $0x80, s26, s13, $0xb8;
	[tilespmem:$0x1E400] =	vst v63  }
0x71: {  	_ =	swait.ge [sflag:s22], $0x4000  }
0x72: {  	[sflag:s22] =	ssyncset.done $0x0  }
0x73: {  	[sflag:s22] =	ssyncadd.s32 $0xFFFFC000  }
0x74: {  	_ =	swait.ge [sflag:s22], $0x4000  }
0x75: {  	[sflag:s22] =	ssyncset.done $0x0  }
0x76: {  	s18 =	sadd.s32 $0xFFFFF000, s1;
	[sflag:s22] =	ssyncadd.s32 $0xFFFFC000  }
0x77: {  	[hbm4b:s18+s3] =	stream.linear.scatter [tilespmem:s14], [sflag:$0x4], $0x8000, $0x38;
	[tilespmem:$0x1E400] =	vst v63  }
0x78: {  	_ =	swait.ge [sflag:s12], $0x8000  }
0x79: {  	[sflag:s12] =	ssyncset.done $0x0  }
0x7a: {  	s25 =	sadd.s32 $0x300, s0;
	[sflag:s12] =	ssyncadd.s32 $0xFFFF8000  }
0x7b: {  	[tilespmem:s14], [sflag:$0x1] =	stream.indirect.gather [hbm4b:s2+s13], $0x80, s25, s13, $0xb8;
	[tilespmem:$0x1E400] =	vst v63  }
0x7c: {  	s26 =	sadd.s32 $0x380, s0  }
0x7d: {  	[tilespmem:s15], [sflag:$0x1] =	stream.indirect.gather [hbm4b:s2+s13], $0x80, s26, s13, $0xb8;
	[tilespmem:$0x1E400] =	vst v63  }
0x7e: {  	_ =	swait.ge [sflag:s23], $0x4000  }
0x7f: {  	[sflag:s23] =	ssyncset.done $0x0  }
0x80: {  	[sflag:s23] =	ssyncadd.s32 $0xFFFFC000  }
0x81: {  	_ =	swait.ge [sflag:s23], $0x4000  }
0x82: {  	[sflag:s23] =	ssyncset.done $0x0  }
0x83: {  	[sflag:s23] =	ssyncadd.s32 $0xFFFFC000  }
0x84: {  	[hbm4b:s1+s3] =	stream.linear.scatter [tilespmem:s17], [sflag:$0x4], $0x8000, $0x38;
	[tilespmem:$0x1E400] =	vst v63  }
0x85: {  	_ =	swait.ge [sflag:s12], $0x8000  }
0x86: {  	[sflag:s12] =	ssyncset.done $0x0  }
0x87: {  	s18 =	sadd.s32 $0x400, s0;
	[sflag:s12] =	ssyncadd.s32 $0xFFFF8000  }
0x88: {  	[tilespmem:s17], [sflag:$0x2] =	stream.indirect.gather [hbm4b:s2+s13], $0x80, s18, s13, $0xb8;
	[tilespmem:$0x1E400] =	vst v63  }
0x89: {  	s25 =	sadd.s32 $0x480, s0  }
0x8a: {  	[tilespmem:s19], [sflag:$0x2] =	stream.indirect.gather [hbm4b:s2+s13], $0x80, s25, s13, $0xb8;
	[tilespmem:$0x1E400] =	vst v63  }
0x8b: {  	_ =	swait.ge [sflag:s24], $0x4000  }
0x8c: {  	[sflag:s24] =	ssyncset.done $0x0  }
0x8d: {  	[sflag:s24] =	ssyncadd.s32 $0xFFFFC000  }
0x8e: {  	_ =	swait.ge [sflag:s24], $0x4000  }
0x8f: {  	[sflag:s24] =	ssyncset.done $0x0  }
0x90: {  	[sflag:s24] =	ssyncadd.s32 $0xFFFFC000  }
0x91: {  	[hbm4b:s31+s3] =	stream.linear.scatter [tilespmem:s20], [sflag:$0x4], $0x8000, $0x38;
	[tilespmem:$0x1E400] =	vst v63  }
0x92: {  	_ =	swait.ge [sflag:s12], $0x8000  }
0x93: {  	[sflag:s12] =	ssyncset.done $0x0  }
0x94: {  	s26 =	simm.s32 $0x6200;
	[sflag:s12] =	ssyncadd.s32 $0xFFFF8000  }
0x95: {  	[tilespmem:s20], [sflag:$0x3] =	stream.indirect.gather [hbm4b:s2+s13], $0x80, s26, s13, $0xb8;
	[tilespmem:$0x1E400] =	vst v63  }
0x96: {  	s31 =	simm.s32 $0x6280  }
0x97: {  	[tilespmem:s21], [sflag:$0x3] =	stream.indirect.gather [hbm4b:s2+s13], $0x80, s31, s13, $0xb8;
	[tilespmem:$0x1E400] =	vst v63  }
0x98: {  	_ =	swait.ge [sflag:s22], $0x4000  }
0x99: {  	[sflag:s22] =	ssyncset.done $0x0  }
0x9a: {  	[sflag:s22] =	ssyncadd.s32 $0xFFFFC000  }
0x9b: {  	_ =	swait.ge [sflag:s22], $0x4000  }
0x9c: {  	[sflag:s22] =	ssyncset.done $0x0  }
0x9d: {  	[sflag:s22] =	ssyncadd.s32 $0xFFFFC000  }
0x9e: {  	[hbm4b:s5+s3] =	stream.linear.scatter [tilespmem:s14], [sflag:$0x4], $0x8000, $0x38;
	[tilespmem:$0x1E400] =	vst v63  }
0x9f: {  	_ =	swait.ge [sflag:s12], $0x8000  }
0xa0: {  	[sflag:s12] =	ssyncset.done $0x0  }
0xa1: {  	[sflag:s12] =	ssyncadd.s32 $0xFFFF8000  }
0xa2: {  	[tilespmem:s14], [sflag:$0x1] =	stream.indirect.gather [hbm4b:s2+s13], $0x80, s28, s13, $0xb8;
	[tilespmem:$0x1E400] =	vst v63  }
0xa3: {  	_ = 	snop  }
0xa4: {  	[tilespmem:s15], [sflag:$0x1] =	stream.indirect.gather [hbm4b:s2+s13], $0x80, s29, s13, $0xb8;
	[tilespmem:$0x1E400] =	vst v63  }
0xa5: {  	_ =	swait.ge [sflag:s23], $0x4000  }
0xa6: {  	[sflag:s23] =	ssyncset.done $0x0  }
0xa7: {  	[sflag:s23] =	ssyncadd.s32 $0xFFFFC000  }
0xa8: {  	_ =	swait.ge [sflag:s23], $0x4000  }
0xa9: {  	[sflag:s23] =	ssyncset.done $0x0  }
0xaa: {  	[sflag:s23] =	ssyncadd.s32 $0xFFFFC000  }
0xab: {  	[hbm4b:s6+s3] =	stream.linear.scatter [tilespmem:s17], [sflag:$0x4], $0x8000, $0x38;
	[tilespmem:$0x1E400] =	vst v63  }
0xac: {  	_ =	swait.ge [sflag:s12], $0x8000  }
0xad: {  	[sflag:s12] =	ssyncset.done $0x0  }
0xae: {  	[sflag:s12] =	ssyncadd.s32 $0xFFFF8000  }
0xaf: {  	_ =	swait.ge [sflag:s24], $0x4000  }
0xb0: {  	[sflag:s24] =	ssyncset.done $0x0  }
0xb1: {  	[sflag:s24] =	ssyncadd.s32 $0xFFFFC000  }
0xb2: {  	_ =	swait.ge [sflag:s24], $0x4000  }
0xb3: {  	[sflag:s24] =	ssyncset.done $0x0  }
0xb4: {  	[sflag:s24] =	ssyncadd.s32 $0xFFFFC000  }
0xb5: {  	[hbm4b:s7+s3] =	stream.linear.scatter [tilespmem:s20], [sflag:$0x4], $0x8000, $0x38;
	[tilespmem:$0x1E400] =	vst v63  }
0xb6: {  	_ =	swait.ge [sflag:s12], $0x8000  }
0xb7: {  	[sflag:s12] =	ssyncset.done $0x0  }
0xb8: {  	[sflag:s12] =	ssyncadd.s32 $0xFFFF8000  }
0xb9: {  	_ =	swait.ge [sflag:s22], $0x4000  }
0xba: {  	[sflag:s22] =	ssyncset.done $0x0  }
0xbb: {  	[sflag:s22] =	ssyncadd.s32 $0xFFFFC000  }
0xbc: {  	s30 =	sadd.s32 $0x1, s30;
	_ =	swait.ge [sflag:s22], $0x4000  }
0xbd: {  	p0 =	sne.s32 s30, s9;
	[sflag:s22] =	ssyncset.done $0x0  }
.Ltmp1:
0xbe: {  	[sflag:s22] =	ssyncadd.s32 $0xFFFFC000;
	(pc) =	sbr.rel @p0 .LBB2_1-.Ltmp1, $4  }
0xbf: {  	[hbm4b:s8+s3] =	stream.linear.scatter [tilespmem:s14], [sflag:$0x4], $0x8000, $0x38;
	[tilespmem:$0x1E400] =	vst v63  }
0xc0: {  	_ =	swait.ge [sflag:s12], $0x8000  }
0xc1: {  	[sflag:s12] =	ssyncset.done $0x0  }
0xc2: {  	[sflag:s12] =	ssyncadd.s32 $0xFFFF8000  }
0xc3: {  	_ =	sfence.sel $0x180000  }
0xc4: {  	[bflag:$0x0] =	sbarrier.arrive $0xFFFF  }
0xc5: {  	_ =	strace $0x90000047  }
0xc6: {  	s0 =	stileid.u32;
	[bflag:$0x2] =	sbarrier.arrive $0xFFFF  }
0xc7: {  	p0 =	sne.s32 s0, $0x0;
	s0 =	rddreg [dreg:$0x2]  }
0xc8: {  	s0 =	sadd.s32 @!p0 $0x100000, s0  }
0xc9: {  	[sflag:s0] =	ssyncadd.tile.s32 @!p0 $0x1;
	_ =	shalt  }
.Lfunc_end2:
_tile_overlayer_lowered:
.L_overlay_start_2:
0xca: {  	(tag) =	ssettag $0x2  }
0xcb: {  	s0 =	rddreg [dreg:$0x0];
	s2 =	stileid.u32  }
0xcc: {  	s1 =	rddreg [dreg:$0x1];
	p0 =	sne.s32 s2, $0x0  }
0xcd: {  	s3 =	rddreg [dreg:$0x2];
	[bflag:$0x3] =	sbarrier.arrive $0xFFFF;
	s2 =	simm.s32 @!p0 $0x1C04  }
0xce: {  	[timem:s3], [sflag:s2] =	dma.local @!p0 [hbm:s0], s1  }
0xcf: {  	s0 =	simm.s32 @!p0 $0x4  }
0xd0: {  	_ =	swait.ge @!p0 [sflag:s0], s1  }
0xd1: {  	s1 =	ssub.s32 @!p0 $0x0, s1;
	[sflag:s0] =	ssyncset.done @!p0 $0x0  }
0xd2: {  	[sflag:s0] =	ssyncadd.s32 @!p0 s1  }
0xd3: {  	[bflag:$0x3] =	sbarrier.arrive $0xFFFF  }
0xd4: {  	_ =	shalt  }

// kernel: sparse-core-data-format-call.cloned.1.call-start
scs
called_computation_lowered:
.L_overlay_start_0:
0x0: {  	s2 =	sld [smem:$0x3FD9]  }
0x1: {  	s3 =	sld [smem:$0x3FFE];
	_ =	sdelay $0x1  }
0x2: {  	s1 =	srdreg.scid  }
0x3: {  	s0 =	sand.u32 $0x1, s1  }
0x4: {  	s18 =	sshll.u32 s0, $0xA;
	s2 =	sadd.s32 s3, s2  }
0x5: {  	s2 =	sadd.s32 s2, s18  }
0x6: {  	[smem:$0x3FC4] =	sst s2  }
0x7: {  	_ = 	snop  }
0x8: {  	s2 =	sld [smem:$0x3FD0];
	(tm) =	ssettm $0x1  }
0x9: {  	s19 =	sld [smem:$0x3FFB];
	_ =	sdelay $0x3  }
0xa: {  	_ =	strace s19  }
0xb: {  	s3 =	sld [smem:$0x3FFC];
	_ =	sdelay $0x3  }
0xc: {  	_ =	strace s3  }
0xd: {  	s3 =	sld [smem:$0x3FFD];
	_ =	sdelay $0x3  }
0xe: {  	_ =	strace s3  }
0xf: {  	_ =	strace $0x8FFFFFFF  }
0x10: {  	s20 =	sld [smem:$0x3FDB];
	_ =	sdelay $0x1  }
0x11: {  	s4 =	simm.s32 $_scs_section_size  }
0x12: {  	s5 =	simm.s32 $_size__tile_overlayer_lowered;
	s6 =	simm.s32 $_tile_overlayer_lowered  }
0x13: {  	s23 =	simm.s32 $0x1BFF;
	s22 =	sshll.u32 s6, $0x1;
	s3 =	sadd.s32 s4, s20  }
0x14: {  	s7 =	simm.s32 $0x0;
	s21 =	sshll.u32 s5, $0x1;
	s5 =	sadd.s32 s22, s3  }
0x15: {  	[timem:s7], [sflag:s23] =	dma.local [hbm:s5], s21  }
0x16: {  	_ =	swait.ge [sflag:s23], s21  }
0x17: {  	s4 =	ssub.s32 $0x0, s21;
	[sflag:s23] =	ssyncset.done $0x0  }
0x18: {  	[sflag:s23] =	ssyncadd.s32 s4;
	_ =	sdelay $0x1  }
0x19: {  	s24 =	simm.s32 $0x1B8B  }
0x1a: {  	_ =	swait.ge [sflag:s24], $0x1  }
0x1b: {  	[sflag:s24] =	ssyncset.done $0x0  }
0x1c: {  	s26 =	simm.s32 $0x1B8E;
	s25 =	sld [smem:$0x3FFE];
	[sflag:s24] =	ssyncadd.s32 $0xFFFFFFFF  }
0x1d: {  	s27 =	simm.s32 $execute0_lowered;
	[smem:$0x3FD2] =	sst s26  }
0x1e: {  	s5 =	sshll.u32 s27, $0x1;
	_ =	strace $0x80000049;
	[dreg:$0x1] =	wrdreg $0xFFFFFFFF  }
0x1f: {  	s28 =	simm.s32 $_size_execute0_lowered;
	s3 =	sadd.s32 s3, s5;
	[dreg:$0x0] =	wrdreg $0x0  }
0x20: {  	s5 =	sshll.u32 s28, $0x1;
	[dreg:$0x2] =	wrdreg s3  }
0x21: {  	[dreg:$0x3] =	wrdreg s5  }
0x22: {  	[dreg:$0x4] =	wrdreg $0xC0  }
0x23: {  	_ =	task [dreg:s7], $0x5FFFF  }
0x24: {  	[dreg:$0x1] =	wrdreg $0xFFFFFFFF  }
0x25: {  	[dreg:$0x0] =	wrdreg $0x60  }
0x26: {  	[dreg:$0x2] =	wrdreg s25  }
0x27: {  	[dreg:$0x3] =	wrdreg s2  }
0x28: {  	[dreg:$0x4] =	wrdreg $0x9  }
0x29: {  	_ =	task.clear_ibuf [dreg:s7], $0x5FFFF;
	_ =	strace $0x90000049  }
0x2a: {  	s29 =	simm.s32 $0x9;
	_ =	strace $0x8000004B  }
0x2b: {  	_ =	swait.ge [sflag:s29], $0x1  }
0x2c: {  	[sflag:s29] =	ssyncadd.s32 $0xFFFFFFFF  }
0x2d: {  	_ =	strace $0x9000004B  }
0x2e: {  	_ =	sfence  }
0x2f: {  	s30 =	sld [smem:$0x0];
	_ =	sdelay $0x2  }
0x30: {  	s31 =	sshll.u32 s1, $0xD;
	s1 =	sshrl.u32 s1, $0x2  }
0x31: {  	s3 =	sand.u32 $0x4000, s31;
	s1 =	sadd.s32 s1, s30  }
0x32: {  	s0 =	sor.u32 s3, s0;
	s1 =	sshll.u32 s1, $0x11  }
0x33: {  	s0 =	sor.u32 s1, s0  }
0x34: {  	s0 =	sadd.s32 $0x8F2B, s0  }
0x35: {  	[sflag:s0] =	ssyncadd.remote.s32 $0x1  }
0x36: {  	_ =	sfence.sel $0xFFFF  }
0x37: {  	[dreg:$0x0] =	wrdreg $0xFFFFFFFF;
	(pc) =	sbr.abs _section_cstart, $3  }
0x38: {  	[dreg:$0x1] =	wrdreg $0xFFFFFFFF  }
0x39: {  	_ =	task.clear_ibuf [dreg:s7], $0x2FFFF;
	_ =	strace $0x9FFFFFFF  }
0x3a: {  	(tm) =	ssettm $0x7FFFFFFF  }
0x3b: {  	_ =	shalt  }
tec
execute0_lowered:
.L_overlay_start_1:
0x0: {  	(tag) =	ssettag $0x1  }
0x1: {  	s0 =	srdreg.scid  }
0x2: {  	s1 =	sshll.u32 s0, $0x4  }
0x3: {  	s0 =	stileid.u32;
	s1 =	sand.u32 $0x10, s1  }
0x4: {  	s1 =	sor.u32 s0, s1  }
0x5: {  	s6 =	rddreg [dreg:$0x0];
	s4 =	simm.s32 $0x1;
	s2 =	sshll.u32 s1, $0x7  }
0x6: {  	s7 =	simm.s32 $0x2;
	s12 =	simm.s32 $0x0;
	s1 =	ssub.s32 $0x1000, s2  }
0x7: {  	s8 =	simm.s32 $0x8000;
	s13 =	simm.s32 $0x0;
	s3 =	sand.u32 $0xF80, s1  }
0x8: {  	s9 =	simm.s32 $0x0;
	s5 =	sshrl.u32 s1, $0xC;
	p0 =	sne.s32 s3, $0x0  }
.Ltmp0:
0x9: {  	s1 =	rddreg [dreg:$0x2];
	s4 =	simm.s32 @!p0 $0x0;
	(pc) =	sbr.rel .LBB1_1-.Ltmp0, $4  }
0xa: {  	s11 =	simm.s32 $0x0;
	s3 =	rddreg [dreg:$0x1];
	s5 =	sadd.s32 s4, s5  }
0xb: {  	_ =	strace $0x8000004A;
	s4 =	simm.s32 $0x1;
	s5 =	smul.u32 $0xC8, s5  }
0xc: {  	s6 =	sadd.s32 $0x19400, s6;
	s10 =	smov.u32 s2;
	[sflag:s4] =	ssyncpa.u1 $0x0  }
0xd: {  	p0 =	por $0x0, $0x0;
	[sflag:s7] =	ssyncpa.u1 $0x0;
	s7 =	sor.u32 $0x1, s5  }
.LBB1_4:
0xe: {  	s16 =	sshll.u32 s13, $0x3;
	s17 =	sand.u32 $0x78, s13  }
0xf: {  	s30 =	sand.u32 $0x7E00, s13;
	s12 =	sshll.u32 s12, $0xF;
	s16 =	sand.u32 $0xC00, s16  }
0x10: {  	[tilespmem:s15+$0x810 ss:$0x81] =	vst.msk $0xffff, v2;
	s31 =	sand.u32 $0x7, s13;
	s16 =	sor.u32 s17, s16;
	s17 =	sadd.s32 s3, s30  }
0x11: {  	[tilespmem:s15+$0x1020 ss:$0x81] =	vst.msk $0xffff, v0;
	s13 =	sshll.u32 s31, $0x12;
	s12 =	sadd.s32 s12, s17;
	s16 =	sshrl.u32 s16, $0x3  }
0x12: {  	[tilespmem:s15+$0x0 ss:$0x81] =	vst.msk $0xffff, v1;
	s13 =	sor.u32 $0x400, s13;
	s12 =	sadd.s32 s16, s12  }
0x13: {  	[hbm4b:s12+s13] =	stream.strided.scatter [tilespmem:s14], [sflag:$0x2], $0x2000, s8, s13, $0x20;
	[tilespmem:$0x8080] =	vst v63  }
.LBB1_5:
0x14: {  	s14 =	sadd.s32 $0x1, s9  }
0x15: {  	s12 =	sadd.s32 $0x1000, s10;
	s16 =	smov.u32 s10;
	p2 =	sgt.s32 s14, $0xC7  }
0x16: {  	s16 =	smov.u32 @p2 s12  }
0x17: {  	s14 =	simm.s32 @p2 $0x0;
	p2 =	sgt.s32 s16, $0xFFF  }
0x18: {  	s16 =	smov.u32 @p2 s2;
	p2 =	sne.s32 s11, s7  }
.Ltmp1:
0x19: {  	p1 =	slt.u32 s11, $0x2;
	(pc) =	sbr.rel @!p2 .LBB1_6-.Ltmp1, $4  }
0x1a: {  	s15 =	simm.s32 @!p1 $0x2  }
0x1b: {  	s13 =	smov.u32 s10;
	p0 =	por !p0, !p0;
	_ =	swait.ge @!p1 [sflag:s15], $0x2000  }
0x1c: {  	s12 =	smov.u32 s9;
	[sflag:s15] =	ssyncset.done @!p1 $0x0;
	s9 =	smov.u32 s14  }
0x1d: {  	s11 =	sadd.s32 $0x1, s11;
	[sflag:s15] =	ssyncadd.s32 @!p1 $0xFFFFE000;
	s10 =	smov.u32 s16  }
.LBB1_1:
0x1e: {  	p1 =	sge.u32 s11, s5  }
0x1f: {  	s14 =	sand.u32 @!p1 $0x1FFFFFF, s9  }
0x20: {  	s15 =	smulhi.u32 @!p1 $0x147AE15, s14;
	_ =	sdelay $0x1  }
0x21: {  	s15 =	smul.u32 @!p1 $0xC8, s15  }
0x22: {  	s16 =	sxor.u32 @!p1 $0xFFFFFFFF, s11;
	s17 =	smul.u32 @!p1 $0xC80, s10  }
0x23: {  	s31 =	sadd.s32 $0xFFFFFFFF, s11;
	s16 =	sshll.u32 @!p1 s16, $0xD;
	s14 =	ssub.s32 @!p1 s14, s15  }
0x24: {  	s15 =	sand.u32 @!p1 $0x2000, s16;
	s16 =	sadd.s32 @!p1 s6, s17;
	s14 =	sshll.u32 @!p1 s14, $0x4  }
0x25: {  	s17 =	simm.s32 @!p1 $0x6400;
	s14 =	sadd.s32 @!p1 s14, s16;
	s16 =	simm.s32 @!p1 $0x40  }
0x26: {  	[tilespmem:s15], [sflag:$0x1] =	stream.strided.gather @!p1 [hbm4b:s14+s16], $0x2000, s17, s16, $0x38;
	[tilespmem:$0x8080] =	vst v63  }
0x27: {  	p1 =	sge.u32 s31, s5  }
.Ltmp2:
0x28: {  	_ = 	snop;
	(pc) =	sbr.rel @p1 .LBB1_5-.Ltmp2, $1  }
0x29: {  	_ =	sdelay $0x3  }
0x2a: {  	s14 =	simm.s32 $0x1  }
0x2b: {  	_ =	swait.ge [sflag:s4], $0x2000;
	s14 =	simm.s32 @!p0 $0x0  }
0x2c: {  	[sflag:s4] =	ssyncset.done $0x0;
	s15 =	sshll.u32 s14, $0xD  }
0x2d: {  	[sflag:s4] =	ssyncadd.s32 $0xFFFFE000;
	s18 =	sor.u32 $0x20, s15  }
0x2e: {  	s14 =	smul.u32 $0x8100, s14;
	v3 =	vld [tilespmem:s18+$0x10]  }
0x2f: {  	s30 =	sand.u32 $0x1, s11;
	v2 =	vld [tilespmem:s18+$0xFFFFFFF0]  }
0x30: {  	s15 =	smul.u32 $0x8100, s30;
	s14 =	sshrl.u32 s14, $0x2;
	v0 =	vld [tilespmem:s18+$0x0]  }
0x31: {  	v1 =	vld [tilespmem:s18+$0xFFFFFFE0];
	s16 =	sor.u32 $0x4000, s14  }
0x32: {  	s31 =	sshrl.u32 s15, $0x2;
	s15 =	sadd.s32 $0x0, s16  }
0x33: {  	s17 =	simm.s32 $0x4;
	s18 =	sadd.s32 $0x40, s18;
	s14 =	sor.u32 $0x4000, s31;
	[tilespmem:s15+$0x1830 ss:$0x81] =	vst.msk $0xffff, v3  }
.LBB1_3:
0x34: {  	v3 =	vld [tilespmem:s18+$0x10];
	p1 =	sne.s32 s17, $0x1FC;
	[tilespmem:s15+$0x810 ss:$0x81] =	vst.msk $0xffff, v2;
	s19 =	smov.u32 s17;
	s17 =	sadd.s32 $0x4, s17  }
.Ltmp3:
0x35: {  	v2 =	vld [tilespmem:s18+$0xFFFFFFF0];
	[tilespmem:s15+$0x1020 ss:$0x81] =	vst.msk $0xffff, v0;
	(pc) =	sbr.rel @p1 .LBB1_3-.Ltmp3, $4  }
0x36: {  	v0 =	vld [tilespmem:s18+$0x0];
	[tilespmem:s15+$0x0 ss:$0x81] =	vst.msk $0xffff, v1  }
0x37: {  	s15 =	sshra.s32 s19, $0x2;
	v1 =	vld [tilespmem:s18+$0xFFFFFFE0]  }
0x38: {  	s15 =	sadd.s32 s15, s16  }
0x39: {  	s18 =	sadd.s32 $0x40, s18;
	[tilespmem:s15+$0x1830 ss:$0x81] =	vst.msk $0xffff, v3  }
.Ltmp4:
0x3a: {  	_ = 	snop;
	(pc) =	sbr.rel .LBB1_4-.Ltmp4, $1  }
0x3b: {  	_ =	sdelay $0x3  }
.LBB1_6:
0x3c: {  	_ =	sfence.sel $0x180000  }
0x3d: {  	s2 =	simm.s32 $0x1;
	[bflag:$0x0] =	sbarrier.arrive $0xFFFF  }
0x3e: {  	s31 =	simm.s32 $0x2;
	[sflag:s2] =	ssyncpa.u1 $0x1  }
0x3f: {  	[sflag:s31] =	ssyncpa.u1 $0x1  }
0x40: {  	p0 =	sne.s32 s0, $0x0;
	_ =	strace $0x9000004A  }
0x41: {  	s0 =	sadd.s32 @!p0 $0x100000, s1;
	[bflag:$0x2] =	sbarrier.arrive $0xFFFF  }
0x42: {  	[sflag:s0] =	ssyncadd.tile.s32 @!p0 $0x1;
	_ =	shalt  }
.Lfunc_end1:
_tile_overlayer_lowered:
.L_overlay_start_2:
0x43: {  	(tag) =	ssettag $0x2  }
0x44: {  	s0 =	rddreg [dreg:$0x0];
	s2 =	stileid.u32  }
0x45: {  	s1 =	rddreg [dreg:$0x1];
	p0 =	sne.s32 s2, $0x0  }
0x46: {  	s3 =	rddreg [dreg:$0x2];
	[bflag:$0x3] =	sbarrier.arrive $0xFFFF;
	s2 =	simm.s32 @!p0 $0x1C01  }
0x47: {  	[timem:s3], [sflag:s2] =	dma.local @!p0 [hbm:s0], s1  }
0x48: {  	s0 =	simm.s32 @!p0 $0x1  }
0x49: {  	_ =	swait.ge @!p0 [sflag:s0], s1  }
0x4a: {  	s1 =	ssub.s32 @!p0 $0x0, s1;
	[sflag:s0] =	ssyncset.done @!p0 $0x0  }
0x4b: {  	[sflag:s0] =	ssyncadd.s32 @!p0 s1  }
0x4c: {  	[bflag:$0x3] =	sbarrier.arrive $0xFFFF  }
0x4d: {  	_ =	shalt  }

</sc_bundles>
